<compile_context>
chip_gen: v7x
topology: tpu7x:2x2x1
jax: 0.10.2.dev20260603
libtpu: 0.0.44.dev20260713+nightly
codegen_flags: <defaults>
</compile_context>

<pallas_src>
import functools

import jax
import jax.numpy as jnp
from jax import lax
from jax.experimental import pallas as pl
from jax.experimental.pallas import tpu as pltpu
from jax.experimental.pallas import tpu_sc as plsc

N = 10000
K = 32
D = 128
E = N * K
NW = 32
GN = 16
NG = N // GN
EPG = GN * K


def _dense_body(h_ref, wt_ref, baux_ref, z_ref, aux_ref):
    z = jnp.dot(h_ref[...], wt_ref[...], preferred_element_type=jnp.float32)
    z_ref[...] = z
    aux_ref[0] = lax.dot_general(
        baux_ref[...], z, (((1,), (1,)), ((), ())),
        preferred_element_type=jnp.float32)


def _dense(h, wt, baux):
    nt = 10
    tb = N // nt
    return pl.pallas_call(
        _dense_body,
        grid=(nt,),
        in_specs=[
            pl.BlockSpec((tb, D), lambda i: (i, 0)),
            pl.BlockSpec((D, D), lambda i: (0, 0)),
            pl.BlockSpec((8, D), lambda i: (0, 0)),
        ],
        out_specs=[
            pl.BlockSpec((tb, D), lambda i: (i, 0)),
            pl.BlockSpec((1, 8, tb), lambda i: (i, 0, 0)),
        ],
        out_shape=[
            jax.ShapeDtypeStruct((N, D), jnp.float32),
            jax.ShapeDtypeStruct((nt, 8, tb), jnp.float32),
        ],
    )(h, wt, baux)


def _sc_body(src_hbm, aux_hbm, z_hbm, wcol_hbm, row_hbm, col_hbm,
             s_st, t_st, u0_st, u1_st, wcol_st, src_st,
             e_st, u0g_st, u1g_st, w_st, row_st, rows_v, col_st, sem):
    wid = lax.axis_index("s") * 2 + lax.axis_index("c")

    pltpu.sync_copy(aux_hbm.at[0], s_st)
    pltpu.sync_copy(aux_hbm.at[1], t_st)
    pltpu.sync_copy(aux_hbm.at[2], u0_st)
    pltpu.sync_copy(aux_hbm.at[3], u1_st)
    pltpu.sync_copy(wcol_hbm, wcol_st)

    iota = lax.iota(jnp.int32, 16)
    iota32 = iota * K

    ngroups = jnp.where(wid < NG - (NG // NW) * NW, NG // NW + 1, NG // NW)

    def group_body(gi, carry):
        g = wid + gi * NW
        nbase = g * GN
        ebase = nbase * K

        pltpu.sync_copy(src_hbm.at[pl.ds(ebase, EPG)], src_st)

        copies = []
        for b in range(4):
            cp = pltpu.make_async_copy(
                z_hbm.at[src_st.at[pl.ds(b * 128, 128)]],
                rows_v.at[pl.ds(b * 128, 128)],
                sem)
            cp.start()
            copies.append(cp)

        tvec = plsc.load_gather(t_st, [nbase + iota])

        def k_logits(k, m):
            srcv = plsc.load_gather(src_st, [iota32 + k])
            sg = plsc.load_gather(s_st, [srcv])
            u0g = plsc.load_gather(u0_st, [srcv])
            u1g = plsc.load_gather(u1_st, [srcv])
            e = sg + tvec
            e = jnp.where(e >= 0.0, e, e * jnp.float32(0.01))
            e_st[pl.ds(k * 16, 16)] = e
            u0g_st[pl.ds(k * 16, 16)] = u0g
            u1g_st[pl.ds(k * 16, 16)] = u1g
            return jnp.maximum(m, e)

        m = lax.fori_loop(0, K, k_logits, jnp.full((16,), -1e30, jnp.float32))

        def k_exp(k, acc):
            p = jnp.exp(e_st[pl.ds(k * 16, 16)] - m)
            e_st[pl.ds(k * 16, 16)] = p
            return acc + p

        denom = lax.fori_loop(0, K, k_exp, jnp.zeros((16,), jnp.float32))
        inv = jnp.float32(1.0) / denom

        def k_alpha(k, c):
            a = e_st[pl.ds(k * 16, 16)] * inv
            e_st[pl.ds(k * 16, 16)] = a
            wck = plsc.load_gather(wcol_st, [jnp.full((16,), k, jnp.int32)])
            plsc.store_scatter(w_st, [iota32 + k], a * wck)
            return c

        lax.fori_loop(0, K, k_alpha, 0)

        def k_row(k, c):
            a0 = e_st[pl.ds(k * 16, 16)]
            a1 = e_st[pl.ds(k * 16 + 16, 16)]
            r = a0 * u0g_st[pl.ds(k * 16, 16)] + a1 * u1g_st[pl.ds(k * 16 + 16, 16)]
            plsc.store_scatter(row_st, [iota32 + k], r)
            return c

        lax.fori_loop(0, K - 1, k_row, 0)
        pltpu.sync_copy(row_st, row_hbm.at[pl.ds(ebase, EPG)])

        for cp in copies:
            cp.wait()

        def node_body(nl, c):
            rbase = nl * K

            def k_acc(k, accs):
                wk = plsc.load_gather(
                    w_st, [jnp.full((16,), rbase + k, jnp.int32)])
                return tuple(
                    accs[dc] + wk * rows_v[rbase + k, pl.ds(dc * 16, 16)]
                    for dc in range(8))

            accs = lax.fori_loop(
                0, K, k_acc,
                tuple(jnp.zeros((16,), jnp.float32) for _ in range(8)))
            for dc in range(8):
                col_st[pl.ds(nl * D + dc * 16, 16)] = accs[dc]
            return c

        lax.fori_loop(0, GN, node_body, 0)
        pltpu.sync_copy(col_st, col_hbm.at[pl.ds(nbase * D, GN * D)])
        return carry

    lax.fori_loop(0, ngroups, group_body, 0)


def _sc(src, aux, z, wcol):
    fn = functools.partial(
        pl.kernel,
        out_type=[
            jax.ShapeDtypeStruct((N * K,), jnp.float32),
            jax.ShapeDtypeStruct((N * D,), jnp.float32),
        ],
        mesh=plsc.VectorSubcoreMesh(core_axis_name="c", subcore_axis_name="s"),
        compiler_params=pltpu.CompilerParams(needs_layout_passes=False),
        scratch_types=[
            pltpu.VMEM((N,), jnp.float32),
            pltpu.VMEM((N,), jnp.float32),
            pltpu.VMEM((N,), jnp.float32),
            pltpu.VMEM((N,), jnp.float32),
            pltpu.VMEM((K,), jnp.float32),
            pltpu.VMEM((EPG,), jnp.int32),
            pltpu.VMEM((EPG,), jnp.float32),
            pltpu.VMEM((EPG,), jnp.float32),
            pltpu.VMEM((EPG,), jnp.float32),
            pltpu.VMEM((EPG,), jnp.float32),
            pltpu.VMEM((EPG,), jnp.float32),
            pltpu.VMEM((EPG, D), jnp.float32),
            pltpu.VMEM((GN * D,), jnp.float32),
            pltpu.SemaphoreType.DMA,
        ],
    )(_sc_body)
    return fn(src, aux, z, wcol)


def _bn_body(row_ref, col_ref, gr_ref, br_ref, gc_ref, bc_ref, out_ref):
    r = row_ref[...][:, :K - 1]
    mr = jnp.mean(r)
    vr = jnp.mean((r - mr) * (r - mr))
    rb = (r - mr) * lax.rsqrt(vr + 1e-5) * gr_ref[0, 0] + br_ref[0, 0]
    c = col_ref[...]
    mc = jnp.mean(c)
    vc = jnp.mean((c - mc) * (c - mc))
    cb = (c - mc) * lax.rsqrt(vc + 1e-5) * gc_ref[0, 0] + bc_ref[0, 0]
    out_ref[...] = jnp.concatenate(
        [jnp.maximum(rb, 0.0), jnp.maximum(cb, 0.0)], axis=1)


def _bn(row_raw, col_raw, gr, br, gc, bc):
    return pl.pallas_call(
        _bn_body,
        out_shape=jax.ShapeDtypeStruct((N, K - 1 + D), jnp.float32),
    )(row_raw, col_raw, gr, br, gc, bc)


def kernel(h, edge_index, W, A, Wrow, brow, gamma_row, beta_row,
           Wcol, bcol, gamma_col, beta_col):
    del brow, bcol
    src = edge_index[0]
    wt = W.T
    baux = jnp.concatenate(
        [A.reshape(2, D), Wrow, jnp.zeros((4, D), jnp.float32)], axis=0)
    z, aux3 = _dense(h, wt, baux)
    aux = aux3.transpose(1, 0, 2).reshape(8, N)
    row_flat, col_flat = _sc(src, aux, z, Wcol)
    return _bn(row_flat.reshape(N, K), col_flat.reshape(N, D),
               gamma_row.reshape(1, 1), beta_row.reshape(1, 1),
               gamma_col.reshape(1, 1), beta_col.reshape(1, 1))

# --- scband reference (transcript-rebuilt; emitter-appended) ---
"""Pipeline reference for scband-gatlayer-48979807043936 (READ-ONLY COPY).

The authoritative reference and input builder live on the scoring server;
editing this copy changes nothing except your own understanding.
"""

import jax, jax.numpy as jnp
import numpy as np

N, K, D_IN, D_OUT = 10000, 32, 128, 128


def _batchnorm(x, gamma, beta, eps=1e-5):
    # BatchNorm2d with a single channel in training mode: normalize over all elements
    mean = jnp.mean(x)
    var = jnp.var(x)
    return (x - mean) / jnp.sqrt(var + eps) * gamma + beta


def setup_inputs(seed: int = 0) -> dict:
    key = jax.random.key(seed)
    ks = jax.random.split(key, 8)
    h = jax.random.normal(ks[0], (N, D_IN), dtype=jnp.float32)
    # fixed in-degree K graph: edges are ordered/grouped by destination node
    src = jax.random.randint(ks[1], (N * K,), 0, N)
    dst = jnp.repeat(jnp.arange(N), K)
    edge_index = jnp.stack([src, dst]).astype(jnp.int32)
    W = jax.random.normal(ks[2], (D_OUT, D_IN), dtype=jnp.float32) * 0.08
    A = jax.random.normal(ks[3], (1, 2 * D_OUT), dtype=jnp.float32) * 0.08
    Wrow = jax.random.normal(ks[4], (2, D_OUT), dtype=jnp.float32) * 0.1
    brow = jnp.zeros((), dtype=jnp.float32)
    gamma_row = jnp.ones((), dtype=jnp.float32)
    beta_row = jnp.zeros((), dtype=jnp.float32)
    Wcol = jax.random.normal(ks[5], (K,), dtype=jnp.float32) * 0.1
    bcol = jnp.zeros((), dtype=jnp.float32)
    gamma_col = jnp.ones((), dtype=jnp.float32)
    beta_col = jnp.zeros((), dtype=jnp.float32)
    return {"h": h, "edge_index": edge_index, "W": W, "A": A,
            "Wrow": Wrow, "brow": brow, "gamma_row": gamma_row, "beta_row": beta_row,
            "Wcol": Wcol, "bcol": bcol, "gamma_col": gamma_col, "beta_col": beta_col}


def reference(h, edge_index, W, A, Wrow, brow, gamma_row, beta_row, Wcol, bcol, gamma_col, beta_col):
    src = edge_index[0]
    # z = fc(h)
    z = h @ W.T  # [N, D_OUT]
    # edge attention: e = leaky_relu(attn_fc(cat(z_src, z_dst)))
    z_src = jnp.take(z, src, axis=0)  # gather  [E, D]
    dst = edge_index[1]
    z_dst = jnp.take(z, dst, axis=0)
    z2 = jnp.concatenate([z_src, z_dst], axis=1)  # [E, 2D]
    e = jax.nn.leaky_relu(z2 @ A.T, 0.01)  # [E, 1]
    # mailbox view: fixed in-degree K, edges grouped by dst
    e_mail = e.reshape(N, K)
    z_mail = z_src.reshape(N, K, D_OUT)
    alpha = jax.nn.softmax(e_mail, axis=1)[..., None]  # [N, K, 1]
    feats = alpha * z_mail  # [N, K, D]
    # CNN reduce: convrow Conv2d(1,1,(2,D)) valid -> [N, K-1]
    row = (jnp.einsum('nkd,d->nk', feats[:, :-1, :], Wrow[0])
           + jnp.einsum('nkd,d->nk', feats[:, 1:, :], Wrow[1]) + brow)
    row = jax.nn.relu(_batchnorm(row, gamma_row, beta_row))
    # convcol Conv2d(1,1,(K,1)) valid -> [N, D]
    col = jnp.einsum('nkd,k->nd', feats, Wcol) + bcol
    col = jax.nn.relu(_batchnorm(col, gamma_col, beta_col))
    return jnp.concatenate([row, col], axis=1)  # [N, K-1+D]

if __name__ == "__main__":
    import jax
    _d = setup_inputs()
    print(jax.jit(kernel)(*tuple(_d.values())))

</pallas_src>

<mosaic_0001>
#map = affine_map<(d0, d1) -> (0)>
#map1 = affine_map<(d0, d1) -> (0, 0)>
module attributes {stable_mosaic.version = 14 : i64} {
  func.func @_sc_body(%arg0: i32, %arg1: i32, %arg2: memref<320000xi32, #tpu.memory_space<hbm>>, %arg3: memref<8x10000xf32, #tpu.memory_space<hbm>>, %arg4: memref<10000x128xf32, #tpu.memory_space<hbm>>, %arg5: memref<32xf32, #tpu.memory_space<hbm>>, %arg6: memref<320000xf32, #tpu.memory_space<hbm>>, %arg7: memref<1280000xf32, #tpu.memory_space<hbm>>, %arg8: memref<10000xf32, #tpu.memory_space<vmem>>, %arg9: memref<10000xf32, #tpu.memory_space<vmem>>, %arg10: memref<10000xf32, #tpu.memory_space<vmem>>, %arg11: memref<10000xf32, #tpu.memory_space<vmem>>, %arg12: memref<32xf32, #tpu.memory_space<vmem>>, %arg13: memref<512xi32, #tpu.memory_space<vmem>>, %arg14: memref<512xf32, #tpu.memory_space<vmem>>, %arg15: memref<512xf32, #tpu.memory_space<vmem>>, %arg16: memref<512xf32, #tpu.memory_space<vmem>>, %arg17: memref<512xf32, #tpu.memory_space<vmem>>, %arg18: memref<512xf32, #tpu.memory_space<vmem>>, %arg19: memref<512x128xf32, #tpu.memory_space<vmem>>, %arg20: memref<2048xf32, #tpu.memory_space<vmem>>, %arg21: memref<!tpu.dma_semaphore, #tpu.memory_space<semaphore_mem>>) attributes {dimension_semantics = [#tpu.dimension_semantics<core_parallel>, #tpu.dimension_semantics<subcore_parallel>], iteration_bounds = array<i64: 2, 16>, scalar_prefetch = 0 : i64, scratch_operands = 14 : i64, tpu.core_type = #tpu.core_type<sc_vector_subcore>, window_params = [{transform_indices = #map}, {transform_indices = #map1}, {transform_indices = #map1}, {transform_indices = #map}, {transform_indices = #map}, {transform_indices = #map}]} {
    %mul3A = arith.constant 2 : i32
    %mul3A_0 = arith.muli %arg1, %mul3A : i32
    %add3A = arith.addi %mul3A_0, %arg0 : i32
    %run_scoped3A = arith.constant 0 : i32
    "tpu.region"() ({
      %run_scoped3A_18 = tpu.sem_alloc : memref<!tpu.dma_semaphore, #tpu.memory_space<semaphore_mem>>
      %dma_start3A = arith.constant 0 : i32
      %dma_start3A_19 = tpu.memref_slice %arg3[%run_scoped3A, %dma_start3A] : memref<8x10000xf32, #tpu.memory_space<hbm>> -> memref<1x10000xf32, #tpu.memory_space<hbm>>
      %dma_start3A_20 = tpu.memref_squeeze %dma_start3A_19 : memref<1x10000xf32, #tpu.memory_space<hbm>> -> memref<10000xf32, #tpu.memory_space<hbm>>
      %dma_start3A_21 = arith.constant 0 : i32
      %dma_start3A_22 = tpu.memref_slice %arg3[%run_scoped3A, %dma_start3A_21] : memref<8x10000xf32, #tpu.memory_space<hbm>> -> memref<1x10000xf32, #tpu.memory_space<hbm>>
      %dma_start3A_23 = tpu.memref_squeeze %dma_start3A_22 : memref<1x10000xf32, #tpu.memory_space<hbm>> -> memref<10000xf32, #tpu.memory_space<hbm>>
      tpu.enqueue_dma source(%dma_start3A_23 : memref<10000xf32, #tpu.memory_space<hbm>>) target(%arg8 : memref<10000xf32, #tpu.memory_space<vmem>>) target_semaphore(%run_scoped3A_18 : memref<!tpu.dma_semaphore, #tpu.memory_space<semaphore_mem>>)
      %dma_wait3A = arith.constant 0 : i32
      %dma_wait3A_24 = tpu.memref_slice %arg3[%run_scoped3A, %dma_wait3A] : memref<8x10000xf32, #tpu.memory_space<hbm>> -> memref<1x10000xf32, #tpu.memory_space<hbm>>
      %dma_wait3A_25 = tpu.memref_squeeze %dma_wait3A_24 : memref<1x10000xf32, #tpu.memory_space<hbm>> -> memref<10000xf32, #tpu.memory_space<hbm>>
      %dma_wait3A_26 = arith.constant 0 : i32
      %dma_wait3A_27 = tpu.memref_slice %arg3[%run_scoped3A, %dma_wait3A_26] : memref<8x10000xf32, #tpu.memory_space<hbm>> -> memref<1x10000xf32, #tpu.memory_space<hbm>>
      %dma_wait3A_28 = tpu.memref_squeeze %dma_wait3A_27 : memref<1x10000xf32, #tpu.memory_space<hbm>> -> memref<10000xf32, #tpu.memory_space<hbm>>
      tpu.wait_dma2 semaphore(%run_scoped3A_18 : memref<!tpu.dma_semaphore, #tpu.memory_space<semaphore_mem>>) src(%dma_wait3A_28 : memref<10000xf32, #tpu.memory_space<hbm>>) dst(%arg8 : memref<10000xf32, #tpu.memory_space<vmem>>)
      tpu.yield
    }) : () -> ()
    %run_scoped3A_1 = arith.constant 1 : i32
    "tpu.region"() ({
      %run_scoped3A_18 = tpu.sem_alloc : memref<!tpu.dma_semaphore, #tpu.memory_space<semaphore_mem>>
      %dma_start3A = arith.constant 0 : i32
      %dma_start3A_19 = tpu.memref_slice %arg3[%run_scoped3A_1, %dma_start3A] : memref<8x10000xf32, #tpu.memory_space<hbm>> -> memref<1x10000xf32, #tpu.memory_space<hbm>>
      %dma_start3A_20 = tpu.memref_squeeze %dma_start3A_19 : memref<1x10000xf32, #tpu.memory_space<hbm>> -> memref<10000xf32, #tpu.memory_space<hbm>>
      %dma_start3A_21 = arith.constant 0 : i32
      %dma_start3A_22 = tpu.memref_slice %arg3[%run_scoped3A_1, %dma_start3A_21] : memref<8x10000xf32, #tpu.memory_space<hbm>> -> memref<1x10000xf32, #tpu.memory_space<hbm>>
      %dma_start3A_23 = tpu.memref_squeeze %dma_start3A_22 : memref<1x10000xf32, #tpu.memory_space<hbm>> -> memref<10000xf32, #tpu.memory_space<hbm>>
      tpu.enqueue_dma source(%dma_start3A_23 : memref<10000xf32, #tpu.memory_space<hbm>>) target(%arg9 : memref<10000xf32, #tpu.memory_space<vmem>>) target_semaphore(%run_scoped3A_18 : memref<!tpu.dma_semaphore, #tpu.memory_space<semaphore_mem>>)
      %dma_wait3A = arith.constant 0 : i32
      %dma_wait3A_24 = tpu.memref_slice %arg3[%run_scoped3A_1, %dma_wait3A] : memref<8x10000xf32, #tpu.memory_space<hbm>> -> memref<1x10000xf32, #tpu.memory_space<hbm>>
      %dma_wait3A_25 = tpu.memref_squeeze %dma_wait3A_24 : memref<1x10000xf32, #tpu.memory_space<hbm>> -> memref<10000xf32, #tpu.memory_space<hbm>>
      %dma_wait3A_26 = arith.constant 0 : i32
      %dma_wait3A_27 = tpu.memref_slice %arg3[%run_scoped3A_1, %dma_wait3A_26] : memref<8x10000xf32, #tpu.memory_space<hbm>> -> memref<1x10000xf32, #tpu.memory_space<hbm>>
      %dma_wait3A_28 = tpu.memref_squeeze %dma_wait3A_27 : memref<1x10000xf32, #tpu.memory_space<hbm>> -> memref<10000xf32, #tpu.memory_space<hbm>>
      tpu.wait_dma2 semaphore(%run_scoped3A_18 : memref<!tpu.dma_semaphore, #tpu.memory_space<semaphore_mem>>) src(%dma_wait3A_28 : memref<10000xf32, #tpu.memory_space<hbm>>) dst(%arg9 : memref<10000xf32, #tpu.memory_space<vmem>>)
      tpu.yield
    }) : () -> ()
    %run_scoped3A_2 = arith.constant 2 : i32
    "tpu.region"() ({
      %run_scoped3A_18 = tpu.sem_alloc : memref<!tpu.dma_semaphore, #tpu.memory_space<semaphore_mem>>
      %dma_start3A = arith.constant 0 : i32
      %dma_start3A_19 = tpu.memref_slice %arg3[%run_scoped3A_2, %dma_start3A] : memref<8x10000xf32, #tpu.memory_space<hbm>> -> memref<1x10000xf32, #tpu.memory_space<hbm>>
      %dma_start3A_20 = tpu.memref_squeeze %dma_start3A_19 : memref<1x10000xf32, #tpu.memory_space<hbm>> -> memref<10000xf32, #tpu.memory_space<hbm>>
      %dma_start3A_21 = arith.constant 0 : i32
      %dma_start3A_22 = tpu.memref_slice %arg3[%run_scoped3A_2, %dma_start3A_21] : memref<8x10000xf32, #tpu.memory_space<hbm>> -> memref<1x10000xf32, #tpu.memory_space<hbm>>
      %dma_start3A_23 = tpu.memref_squeeze %dma_start3A_22 : memref<1x10000xf32, #tpu.memory_space<hbm>> -> memref<10000xf32, #tpu.memory_space<hbm>>
      tpu.enqueue_dma source(%dma_start3A_23 : memref<10000xf32, #tpu.memory_space<hbm>>) target(%arg10 : memref<10000xf32, #tpu.memory_space<vmem>>) target_semaphore(%run_scoped3A_18 : memref<!tpu.dma_semaphore, #tpu.memory_space<semaphore_mem>>)
      %dma_wait3A = arith.constant 0 : i32
      %dma_wait3A_24 = tpu.memref_slice %arg3[%run_scoped3A_2, %dma_wait3A] : memref<8x10000xf32, #tpu.memory_space<hbm>> -> memref<1x10000xf32, #tpu.memory_space<hbm>>
      %dma_wait3A_25 = tpu.memref_squeeze %dma_wait3A_24 : memref<1x10000xf32, #tpu.memory_space<hbm>> -> memref<10000xf32, #tpu.memory_space<hbm>>
      %dma_wait3A_26 = arith.constant 0 : i32
      %dma_wait3A_27 = tpu.memref_slice %arg3[%run_scoped3A_2, %dma_wait3A_26] : memref<8x10000xf32, #tpu.memory_space<hbm>> -> memref<1x10000xf32, #tpu.memory_space<hbm>>
      %dma_wait3A_28 = tpu.memref_squeeze %dma_wait3A_27 : memref<1x10000xf32, #tpu.memory_space<hbm>> -> memref<10000xf32, #tpu.memory_space<hbm>>
      tpu.wait_dma2 semaphore(%run_scoped3A_18 : memref<!tpu.dma_semaphore, #tpu.memory_space<semaphore_mem>>) src(%dma_wait3A_28 : memref<10000xf32, #tpu.memory_space<hbm>>) dst(%arg10 : memref<10000xf32, #tpu.memory_space<vmem>>)
      tpu.yield
    }) : () -> ()
    %run_scoped3A_3 = arith.constant 3 : i32
    "tpu.region"() ({
      %run_scoped3A_18 = tpu.sem_alloc : memref<!tpu.dma_semaphore, #tpu.memory_space<semaphore_mem>>
      %dma_start3A = arith.constant 0 : i32
      %dma_start3A_19 = tpu.memref_slice %arg3[%run_scoped3A_3, %dma_start3A] : memref<8x10000xf32, #tpu.memory_space<hbm>> -> memref<1x10000xf32, #tpu.memory_space<hbm>>
      %dma_start3A_20 = tpu.memref_squeeze %dma_start3A_19 : memref<1x10000xf32, #tpu.memory_space<hbm>> -> memref<10000xf32, #tpu.memory_space<hbm>>
      %dma_start3A_21 = arith.constant 0 : i32
      %dma_start3A_22 = tpu.memref_slice %arg3[%run_scoped3A_3, %dma_start3A_21] : memref<8x10000xf32, #tpu.memory_space<hbm>> -> memref<1x10000xf32, #tpu.memory_space<hbm>>
      %dma_start3A_23 = tpu.memref_squeeze %dma_start3A_22 : memref<1x10000xf32, #tpu.memory_space<hbm>> -> memref<10000xf32, #tpu.memory_space<hbm>>
      tpu.enqueue_dma source(%dma_start3A_23 : memref<10000xf32, #tpu.memory_space<hbm>>) target(%arg11 : memref<10000xf32, #tpu.memory_space<vmem>>) target_semaphore(%run_scoped3A_18 : memref<!tpu.dma_semaphore, #tpu.memory_space<semaphore_mem>>)
      %dma_wait3A = arith.constant 0 : i32
      %dma_wait3A_24 = tpu.memref_slice %arg3[%run_scoped3A_3, %dma_wait3A] : memref<8x10000xf32, #tpu.memory_space<hbm>> -> memref<1x10000xf32, #tpu.memory_space<hbm>>
      %dma_wait3A_25 = tpu.memref_squeeze %dma_wait3A_24 : memref<1x10000xf32, #tpu.memory_space<hbm>> -> memref<10000xf32, #tpu.memory_space<hbm>>
      %dma_wait3A_26 = arith.constant 0 : i32
      %dma_wait3A_27 = tpu.memref_slice %arg3[%run_scoped3A_3, %dma_wait3A_26] : memref<8x10000xf32, #tpu.memory_space<hbm>> -> memref<1x10000xf32, #tpu.memory_space<hbm>>
      %dma_wait3A_28 = tpu.memref_squeeze %dma_wait3A_27 : memref<1x10000xf32, #tpu.memory_space<hbm>> -> memref<10000xf32, #tpu.memory_space<hbm>>
      tpu.wait_dma2 semaphore(%run_scoped3A_18 : memref<!tpu.dma_semaphore, #tpu.memory_space<semaphore_mem>>) src(%dma_wait3A_28 : memref<10000xf32, #tpu.memory_space<hbm>>) dst(%arg11 : memref<10000xf32, #tpu.memory_space<vmem>>)
      tpu.yield
    }) : () -> ()
    "tpu.region"() ({
      %run_scoped3A_18 = tpu.sem_alloc : memref<!tpu.dma_semaphore, #tpu.memory_space<semaphore_mem>>
      tpu.enqueue_dma source(%arg5 : memref<32xf32, #tpu.memory_space<hbm>>) target(%arg12 : memref<32xf32, #tpu.memory_space<vmem>>) target_semaphore(%run_scoped3A_18 : memref<!tpu.dma_semaphore, #tpu.memory_space<semaphore_mem>>)
      tpu.wait_dma2 semaphore(%run_scoped3A_18 : memref<!tpu.dma_semaphore, #tpu.memory_space<semaphore_mem>>) src(%arg5 : memref<32xf32, #tpu.memory_space<hbm>>) dst(%arg12 : memref<32xf32, #tpu.memory_space<vmem>>)
      tpu.yield
    }) : () -> ()
    %iota3A = tpu.iota {dimensions = array<i32: 0>} : vector<16xi32>
    %mul3A_4 = arith.constant 32 : i32
    %mul3A_5 = vector.broadcast %mul3A_4 : i32 to vector<16xi32>
    %mul3A_6 = arith.muli %iota3A, %mul3A_5 : vector<16xi32>
    %lt3A = arith.constant 17 : i32
    %lt3A_7 = arith.cmpi slt, %add3A, %lt3A : i32
    %jit3A = arith.constant 20 : i32
    %jit3A_8 = arith.constant 19 : i32
    %select_n3A = arith.select %lt3A_7, %jit3A, %jit3A_8 : i32
    %while3A = arith.constant 0 : i32
    %while3A_9 = arith.constant 0 : i32
    %while3A_10 = arith.subi %select_n3A, %while3A_9 : i32
    %while3A_11 = arith.addi %while3A_9, %while3A_10 : i32
    %while3A_12 = arith.constant 1 : i32
    %while3A_13 = arith.divsi %while3A_10, %while3A_12 : i32
    %while3A_14 = arith.muli %while3A_13, %while3A_12 : i32
    %while3A_15 = arith.addi %while3A_9, %while3A_14 : i32
    %while3A_16 = arith.constant 1 : i32
    scf.for %while3A_18 = %while3A_9 to %while3A_15 step %while3A_16  : i32 {
      %mul3A_19 = arith.constant 32 : i32
      %mul3A_20 = arith.muli %while3A_18, %mul3A_19 : i32
      %add3A_21 = arith.addi %add3A, %mul3A_20 : i32
      %mul3A_22 = arith.constant 16 : i32
      %mul3A_23 = arith.muli %add3A_21, %mul3A_22 : i32
      %mul3A_24 = arith.constant 32 : i32
      %mul3A_25 = arith.muli %mul3A_23, %mul3A_24 : i32
      "tpu.region"() ({
        %run_scoped3A_126 = tpu.sem_alloc : memref<!tpu.dma_semaphore, #tpu.memory_space<semaphore_mem>>
        %dma_start3A_127 = tpu.memref_slice %arg2[%mul3A_25] : memref<320000xi32, #tpu.memory_space<hbm>> -> memref<512xi32, #tpu.memory_space<hbm>>
        %dma_start3A_128 = tpu.memref_slice %arg2[%mul3A_25] : memref<320000xi32, #tpu.memory_space<hbm>> -> memref<512xi32, #tpu.memory_space<hbm>>
        tpu.enqueue_dma source(%dma_start3A_128 : memref<512xi32, #tpu.memory_space<hbm>>) target(%arg13 : memref<512xi32, #tpu.memory_space<vmem>>) target_semaphore(%run_scoped3A_126 : memref<!tpu.dma_semaphore, #tpu.memory_space<semaphore_mem>>)
        %dma_wait3A_129 = tpu.memref_slice %arg2[%mul3A_25] : memref<320000xi32, #tpu.memory_space<hbm>> -> memref<512xi32, #tpu.memory_space<hbm>>
        %dma_wait3A_130 = tpu.memref_slice %arg2[%mul3A_25] : memref<320000xi32, #tpu.memory_space<hbm>> -> memref<512xi32, #tpu.memory_space<hbm>>
        tpu.wait_dma2 semaphore(%run_scoped3A_126 : memref<!tpu.dma_semaphore, #tpu.memory_space<semaphore_mem>>) src(%dma_wait3A_130 : memref<512xi32, #tpu.memory_space<hbm>>) dst(%arg13 : memref<512xi32, #tpu.memory_space<vmem>>)
        tpu.yield
      }) : () -> ()
      %dma_start3A = arith.constant 0 : i32
      %dma_start3A_26 = arith.constant 0 : i32
      %dma_start3A_27 = tpu.memref_slice %arg19[%dma_start3A, %dma_start3A_26] : memref<512x128xf32, #tpu.memory_space<vmem>> -> memref<128x128xf32, #tpu.memory_space<vmem>>
      %dma_start3A_28 = arith.constant 0 : i32
      %dma_start3A_29 = tpu.memref_slice %arg13[%dma_start3A_28] : memref<512xi32, #tpu.memory_space<vmem>> -> memref<128xi32, #tpu.memory_space<vmem>>
      %dma_start3A_30 = arith.constant 0 : i32
      %dma_start3A_31 = arith.constant 0 : i32
      %dma_start3A_32 = tpu.memref_slice %arg4[%dma_start3A_30, %dma_start3A_31] : memref<10000x128xf32, #tpu.memory_space<hbm>> -> memref<10000x128xf32, #tpu.memory_space<hbm>>
      tpu.enqueue_indirect_dma source(%dma_start3A_32 : memref<10000x128xf32, #tpu.memory_space<hbm>>) target(%dma_start3A_27 : memref<128x128xf32, #tpu.memory_space<vmem>>) offsets(%dma_start3A_29 : memref<128xi32, #tpu.memory_space<vmem>>) semaphore(%arg21 : memref<!tpu.dma_semaphore, #tpu.memory_space<semaphore_mem>>)
      %dma_start3A_33 = arith.constant 128 : i32
      %dma_start3A_34 = arith.constant 0 : i32
      %dma_start3A_35 = tpu.memref_slice %arg19[%dma_start3A_33, %dma_start3A_34] : memref<512x128xf32, #tpu.memory_space<vmem>> -> memref<128x128xf32, #tpu.memory_space<vmem>>
      %dma_start3A_36 = arith.constant 128 : i32
      %dma_start3A_37 = tpu.memref_slice %arg13[%dma_start3A_36] : memref<512xi32, #tpu.memory_space<vmem>> -> memref<128xi32, #tpu.memory_space<vmem>>
      %dma_start3A_38 = arith.constant 0 : i32
      %dma_start3A_39 = arith.constant 0 : i32
      %dma_start3A_40 = tpu.memref_slice %arg4[%dma_start3A_38, %dma_start3A_39] : memref<10000x128xf32, #tpu.memory_space<hbm>> -> memref<10000x128xf32, #tpu.memory_space<hbm>>
      tpu.enqueue_indirect_dma source(%dma_start3A_40 : memref<10000x128xf32, #tpu.memory_space<hbm>>) target(%dma_start3A_35 : memref<128x128xf32, #tpu.memory_space<vmem>>) offsets(%dma_start3A_37 : memref<128xi32, #tpu.memory_space<vmem>>) semaphore(%arg21 : memref<!tpu.dma_semaphore, #tpu.memory_space<semaphore_mem>>)
      %dma_start3A_41 = arith.constant 256 : i32
      %dma_start3A_42 = arith.constant 0 : i32
      %dma_start3A_43 = tpu.memref_slice %arg19[%dma_start3A_41, %dma_start3A_42] : memref<512x128xf32, #tpu.memory_space<vmem>> -> memref<128x128xf32, #tpu.memory_space<vmem>>
      %dma_start3A_44 = arith.constant 256 : i32
      %dma_start3A_45 = tpu.memref_slice %arg13[%dma_start3A_44] : memref<512xi32, #tpu.memory_space<vmem>> -> memref<128xi32, #tpu.memory_space<vmem>>
      %dma_start3A_46 = arith.constant 0 : i32
      %dma_start3A_47 = arith.constant 0 : i32
      %dma_start3A_48 = tpu.memref_slice %arg4[%dma_start3A_46, %dma_start3A_47] : memref<10000x128xf32, #tpu.memory_space<hbm>> -> memref<10000x128xf32, #tpu.memory_space<hbm>>
      tpu.enqueue_indirect_dma source(%dma_start3A_48 : memref<10000x128xf32, #tpu.memory_space<hbm>>) target(%dma_start3A_43 : memref<128x128xf32, #tpu.memory_space<vmem>>) offsets(%dma_start3A_45 : memref<128xi32, #tpu.memory_space<vmem>>) semaphore(%arg21 : memref<!tpu.dma_semaphore, #tpu.memory_space<semaphore_mem>>)
      %dma_start3A_49 = arith.constant 384 : i32
      %dma_start3A_50 = arith.constant 0 : i32
      %dma_start3A_51 = tpu.memref_slice %arg19[%dma_start3A_49, %dma_start3A_50] : memref<512x128xf32, #tpu.memory_space<vmem>> -> memref<128x128xf32, #tpu.memory_space<vmem>>
      %dma_start3A_52 = arith.constant 384 : i32
      %dma_start3A_53 = tpu.memref_slice %arg13[%dma_start3A_52] : memref<512xi32, #tpu.memory_space<vmem>> -> memref<128xi32, #tpu.memory_space<vmem>>
      %dma_start3A_54 = arith.constant 0 : i32
      %dma_start3A_55 = arith.constant 0 : i32
      %dma_start3A_56 = tpu.memref_slice %arg4[%dma_start3A_54, %dma_start3A_55] : memref<10000x128xf32, #tpu.memory_space<hbm>> -> memref<10000x128xf32, #tpu.memory_space<hbm>>
      tpu.enqueue_indirect_dma source(%dma_start3A_56 : memref<10000x128xf32, #tpu.memory_space<hbm>>) target(%dma_start3A_51 : memref<128x128xf32, #tpu.memory_space<vmem>>) offsets(%dma_start3A_53 : memref<128xi32, #tpu.memory_space<vmem>>) semaphore(%arg21 : memref<!tpu.dma_semaphore, #tpu.memory_space<semaphore_mem>>)
      %add3A_57 = vector.broadcast %mul3A_23 : i32 to vector<16xi32>
      %add3A_58 = arith.addi %add3A_57, %iota3A : vector<16xi32>
      %gather3A = tpu.vector_load_idx %arg9[%add3A_58] : memref<10000xf32, #tpu.memory_space<vmem>>[vector<16xi32>], vector<16xf32>,
      %broadcast_in_dim3A = arith.constant -1.000000e+30 : f32
      %broadcast_in_dim3A_59 = vector.broadcast %broadcast_in_dim3A : f32 to vector<16xf32>
      %scan3A = arith.constant 0 : i32
      %scan3A_60 = arith.constant 32 : i32
      %scan3A_61 = arith.addi %scan3A, %scan3A_60 : i32
      %scan3A_62 = arith.constant 1 : i32
      %scan3A_63 = scf.for %scan3A_126 = %scan3A to %scan3A_61 step %scan3A_62 iter_args(%scan3A_127 = %broadcast_in_dim3A_59) -> (vector<16xf32>)  : i32 {
        %add3A_128 = vector.broadcast %scan3A_126 : i32 to vector<16xi32>
        %add3A_129 = arith.addi %mul3A_6, %add3A_128 : vector<16xi32>
        %gather3A_130 = tpu.vector_load_idx %arg13[%add3A_129] : memref<512xi32, #tpu.memory_space<vmem>>[vector<16xi32>], vector<16xi32>,
        %gather3A_131 = tpu.vector_load_idx %arg8[%gather3A_130] : memref<10000xf32, #tpu.memory_space<vmem>>[vector<16xi32>], vector<16xf32>,
        %gather3A_132 = tpu.vector_load_idx %arg10[%gather3A_130] : memref<10000xf32, #tpu.memory_space<vmem>>[vector<16xi32>], vector<16xf32>,
        %gather3A_133 = tpu.vector_load_idx %arg11[%gather3A_130] : memref<10000xf32, #tpu.memory_space<vmem>>[vector<16xi32>], vector<16xf32>,
        %add3A_134 = arith.addf %gather3A_131, %gather3A : vector<16xf32>
        %ge3A = arith.constant 0.000000e+00 : f32
        %ge3A_135 = vector.broadcast %ge3A : f32 to vector<16xf32>
        %ge3A_136 = arith.cmpf oge, %add3A_134, %ge3A_135 : vector<16xf32>
        %mul3A_137 = arith.constant 0.00999999977 : f32
        %mul3A_138 = vector.broadcast %mul3A_137 : f32 to vector<16xf32>
        %mul3A_139 = arith.mulf %add3A_134, %mul3A_138 : vector<16xf32>
        %select_n3A_140 = arith.select %ge3A_136, %add3A_134, %mul3A_139 : vector<16xi1>, vector<16xf32>
        %mul3A_141 = arith.constant 16 : i32
        %mul3A_142 = arith.muli %scan3A_126, %mul3A_141 : i32
        %swap3A = arith.index_cast %mul3A_142 : i32 to index
        %swap3A_143 = tpu.vector_load %arg14[%swap3A] {strides = array<i32>} : memref<512xf32, #tpu.memory_space<vmem>>, vector<16xf32>,
        tpu.vector_store %arg14[%swap3A], %select_n3A_140 {strides = array<i32>} : memref<512xf32, #tpu.memory_space<vmem>>, vector<16xf32>,
        %mul3A_144 = arith.constant 16 : i32
        %mul3A_145 = arith.muli %scan3A_126, %mul3A_144 : i32
        %swap3A_146 = arith.index_cast %mul3A_145 : i32 to index
        %swap3A_147 = tpu.vector_load %arg15[%swap3A_146] {strides = array<i32>} : memref<512xf32, #tpu.memory_space<vmem>>, vector<16xf32>,
        tpu.vector_store %arg15[%swap3A_146], %gather3A_132 {strides = array<i32>} : memref<512xf32, #tpu.memory_space<vmem>>, vector<16xf32>,
        %mul3A_148 = arith.constant 16 : i32
        %mul3A_149 = arith.muli %scan3A_126, %mul3A_148 : i32
        %swap3A_150 = arith.index_cast %mul3A_149 : i32 to index
        %swap3A_151 = tpu.vector_load %arg16[%swap3A_150] {strides = array<i32>} : memref<512xf32, #tpu.memory_space<vmem>>, vector<16xf32>,
        tpu.vector_store %arg16[%swap3A_150], %gather3A_133 {strides = array<i32>} : memref<512xf32, #tpu.memory_space<vmem>>, vector<16xf32>,
        %max3A = arith.maximumf %scan3A_127, %select_n3A_140 : vector<16xf32>
        scf.yield %max3A : vector<16xf32>
      }
      %scan3A_64 = arith.constant 32 : i32
      %broadcast_in_dim3A_65 = arith.constant 0.000000e+00 : f32
      %broadcast_in_dim3A_66 = vector.broadcast %broadcast_in_dim3A_65 : f32 to vector<16xf32>
      %scan3A_67 = arith.constant 0 : i32
      %scan3A_68 = arith.constant 32 : i32
      %scan3A_69 = arith.addi %scan3A_67, %scan3A_68 : i32
      %scan3A_70 = arith.constant 1 : i32
      %scan3A_71 = scf.for %scan3A_126 = %scan3A_67 to %scan3A_69 step %scan3A_70 iter_args(%scan3A_127 = %broadcast_in_dim3A_66) -> (vector<16xf32>)  : i32 {
        %mul3A_128 = arith.constant 16 : i32
        %mul3A_129 = arith.muli %scan3A_126, %mul3A_128 : i32
        %get3A = arith.index_cast %mul3A_129 : i32 to index
        %get3A_130 = tpu.vector_load %arg14[%get3A] {strides = array<i32>} : memref<512xf32, #tpu.memory_space<vmem>>, vector<16xf32>,
        %sub3A = arith.subf %get3A_130, %scan3A_63 : vector<16xf32>
        %exp3A = math.exp %sub3A : vector<16xf32>
        %mul3A_131 = arith.constant 16 : i32
        %mul3A_132 = arith.muli %scan3A_126, %mul3A_131 : i32
        %swap3A = arith.index_cast %mul3A_132 : i32 to index
        %swap3A_133 = tpu.vector_load %arg14[%swap3A] {strides = array<i32>} : memref<512xf32, #tpu.memory_space<vmem>>, vector<16xf32>,
        tpu.vector_store %arg14[%swap3A], %exp3A {strides = array<i32>} : memref<512xf32, #tpu.memory_space<vmem>>, vector<16xf32>,
        %add3A_134 = arith.addf %scan3A_127, %exp3A : vector<16xf32>
        scf.yield %add3A_134 : vector<16xf32>
      }
      %scan3A_72 = arith.constant 32 : i32
      %div3A = arith.constant 1.000000e+00 : f32
      %div3A_73 = vector.broadcast %div3A : f32 to vector<16xf32>
      %div3A_74 = arith.divf %div3A_73, %scan3A_71 : vector<16xf32>
      %scan3A_75 = arith.constant 0 : i32
      %scan3A_76 = arith.constant 0 : i32
      %scan3A_77 = arith.constant 32 : i32
      %scan3A_78 = arith.addi %scan3A_76, %scan3A_77 : i32
      %scan3A_79 = arith.constant 1 : i32
      scf.for %scan3A_126 = %scan3A_76 to %scan3A_78 step %scan3A_79  : i32 {
        %mul3A_127 = arith.constant 16 : i32
        %mul3A_128 = arith.muli %scan3A_126, %mul3A_127 : i32
        %get3A = arith.index_cast %mul3A_128 : i32 to index
        %get3A_129 = tpu.vector_load %arg14[%get3A] {strides = array<i32>} : memref<512xf32, #tpu.memory_space<vmem>>, vector<16xf32>,
        %mul3A_130 = arith.mulf %get3A_129, %div3A_74 : vector<16xf32>
        %mul3A_131 = arith.constant 16 : i32
        %mul3A_132 = arith.muli %scan3A_126, %mul3A_131 : i32
        %swap3A = arith.index_cast %mul3A_132 : i32 to index
        %swap3A_133 = tpu.vector_load %arg14[%swap3A] {strides = array<i32>} : memref<512xf32, #tpu.memory_space<vmem>>, vector<16xf32>,
        tpu.vector_store %arg14[%swap3A], %mul3A_130 {strides = array<i32>} : memref<512xf32, #tpu.memory_space<vmem>>, vector<16xf32>,
        %broadcast_in_dim3A_134 = vector.broadcast %scan3A_126 : i32 to vector<16xi32>
        %gather3A_135 = tpu.vector_load_idx %arg12[%broadcast_in_dim3A_134] : memref<32xf32, #tpu.memory_space<vmem>>[vector<16xi32>], vector<16xf32>,
        %add3A_136 = vector.broadcast %scan3A_126 : i32 to vector<16xi32>
        %add3A_137 = arith.addi %mul3A_6, %add3A_136 : vector<16xi32>
        %mul3A_138 = arith.mulf %mul3A_130, %gather3A_135 : vector<16xf32>
        tpu.vector_store_idx %arg17[%add3A_137], %mul3A_138 : memref<512xf32, #tpu.memory_space<vmem>>[vector<16xi32>], vector<16xf32>,
      }
      %scan3A_80 = arith.constant 32 : i32
      %scan3A_81 = arith.constant 0 : i32
      %scan3A_82 = arith.constant 0 : i32
      %scan3A_83 = arith.constant 31 : i32
      %scan3A_84 = arith.addi %scan3A_82, %scan3A_83 : i32
      %scan3A_85 = arith.constant 1 : i32
      scf.for %scan3A_126 = %scan3A_82 to %scan3A_84 step %scan3A_85  : i32 {
        %mul3A_127 = arith.constant 16 : i32
        %mul3A_128 = arith.muli %scan3A_126, %mul3A_127 : i32
        %get3A = arith.index_cast %mul3A_128 : i32 to index
        %get3A_129 = tpu.vector_load %arg14[%get3A] {strides = array<i32>} : memref<512xf32, #tpu.memory_space<vmem>>, vector<16xf32>,
        %mul3A_130 = arith.constant 16 : i32
        %mul3A_131 = arith.muli %scan3A_126, %mul3A_130 : i32
        %add3A_132 = arith.constant 16 : i32
        %add3A_133 = arith.addi %mul3A_131, %add3A_132 : i32
        %get3A_134 = arith.index_cast %add3A_133 : i32 to index
        %get3A_135 = tpu.vector_load %arg14[%get3A_134] {strides = array<i32>} : memref<512xf32, #tpu.memory_space<vmem>>, vector<16xf32>,
        %mul3A_136 = arith.constant 16 : i32
        %mul3A_137 = arith.muli %scan3A_126, %mul3A_136 : i32
        %get3A_138 = arith.index_cast %mul3A_137 : i32 to index
        %get3A_139 = tpu.vector_load %arg15[%get3A_138] {strides = array<i32>} : memref<512xf32, #tpu.memory_space<vmem>>, vector<16xf32>,
        %mul3A_140 = arith.mulf %get3A_129, %get3A_139 : vector<16xf32>
        %mul3A_141 = arith.constant 16 : i32
        %mul3A_142 = arith.muli %scan3A_126, %mul3A_141 : i32
        %add3A_143 = arith.constant 16 : i32
        %add3A_144 = arith.addi %mul3A_142, %add3A_143 : i32
        %get3A_145 = arith.index_cast %add3A_144 : i32 to index
        %get3A_146 = tpu.vector_load %arg16[%get3A_145] {strides = array<i32>} : memref<512xf32, #tpu.memory_space<vmem>>, vector<16xf32>,
        %mul3A_147 = arith.mulf %get3A_135, %get3A_146 : vector<16xf32>
        %add3A_148 = arith.addf %mul3A_140, %mul3A_147 : vector<16xf32>
        %add3A_149 = vector.broadcast %scan3A_126 : i32 to vector<16xi32>
        %add3A_150 = arith.addi %mul3A_6, %add3A_149 : vector<16xi32>
        tpu.vector_store_idx %arg18[%add3A_150], %add3A_148 : memref<512xf32, #tpu.memory_space<vmem>>[vector<16xi32>], vector<16xf32>,
      }
      %scan3A_86 = arith.constant 31 : i32
      "tpu.region"() ({
        %run_scoped3A_126 = tpu.sem_alloc : memref<!tpu.dma_semaphore, #tpu.memory_space<semaphore_mem>>
        %dma_start3A_127 = tpu.memref_slice %arg6[%mul3A_25] : memref<320000xf32, #tpu.memory_space<hbm>> -> memref<512xf32, #tpu.memory_space<hbm>>
        %dma_start3A_128 = tpu.memref_slice %arg6[%mul3A_25] : memref<320000xf32, #tpu.memory_space<hbm>> -> memref<512xf32, #tpu.memory_space<hbm>>
        tpu.enqueue_dma source(%arg18 : memref<512xf32, #tpu.memory_space<vmem>>) target(%dma_start3A_128 : memref<512xf32, #tpu.memory_space<hbm>>) target_semaphore(%run_scoped3A_126 : memref<!tpu.dma_semaphore, #tpu.memory_space<semaphore_mem>>)
        %dma_wait3A_129 = tpu.memref_slice %arg6[%mul3A_25] : memref<320000xf32, #tpu.memory_space<hbm>> -> memref<512xf32, #tpu.memory_space<hbm>>
        %dma_wait3A_130 = tpu.memref_slice %arg6[%mul3A_25] : memref<320000xf32, #tpu.memory_space<hbm>> -> memref<512xf32, #tpu.memory_space<hbm>>
        tpu.wait_dma2 semaphore(%run_scoped3A_126 : memref<!tpu.dma_semaphore, #tpu.memory_space<semaphore_mem>>) src(%arg18 : memref<512xf32, #tpu.memory_space<vmem>>) dst(%dma_wait3A_130 : memref<512xf32, #tpu.memory_space<hbm>>)
        tpu.yield
      }) : () -> ()
      %dma_wait3A = arith.constant 0 : i32
      %dma_wait3A_87 = arith.constant 0 : i32
      %dma_wait3A_88 = tpu.memref_slice %arg19[%dma_wait3A, %dma_wait3A_87] : memref<512x128xf32, #tpu.memory_space<vmem>> -> memref<128x128xf32, #tpu.memory_space<vmem>>
      %dma_wait3A_89 = arith.constant 0 : i32
      %dma_wait3A_90 = tpu.memref_slice %arg13[%dma_wait3A_89] : memref<512xi32, #tpu.memory_space<vmem>> -> memref<128xi32, #tpu.memory_space<vmem>>
      %dma_wait3A_91 = arith.constant 0 : i32
      %dma_wait3A_92 = arith.constant 0 : i32
      %dma_wait3A_93 = tpu.memref_slice %arg4[%dma_wait3A_91, %dma_wait3A_92] : memref<10000x128xf32, #tpu.memory_space<hbm>> -> memref<10000x128xf32, #tpu.memory_space<hbm>>
      tpu.wait_indirect_dma semaphore(%arg21 : memref<!tpu.dma_semaphore, #tpu.memory_space<semaphore_mem>>) src(%dma_wait3A_93 : memref<10000x128xf32, #tpu.memory_space<hbm>>) dst(%dma_wait3A_88 : memref<128x128xf32, #tpu.memory_space<vmem>>)
      %dma_wait3A_94 = arith.constant 128 : i32
      %dma_wait3A_95 = arith.constant 0 : i32
      %dma_wait3A_96 = tpu.memref_slice %arg19[%dma_wait3A_94, %dma_wait3A_95] : memref<512x128xf32, #tpu.memory_space<vmem>> -> memref<128x128xf32, #tpu.memory_space<vmem>>
      %dma_wait3A_97 = arith.constant 128 : i32
      %dma_wait3A_98 = tpu.memref_slice %arg13[%dma_wait3A_97] : memref<512xi32, #tpu.memory_space<vmem>> -> memref<128xi32, #tpu.memory_space<vmem>>
      %dma_wait3A_99 = arith.constant 0 : i32
      %dma_wait3A_100 = arith.constant 0 : i32
      %dma_wait3A_101 = tpu.memref_slice %arg4[%dma_wait3A_99, %dma_wait3A_100] : memref<10000x128xf32, #tpu.memory_space<hbm>> -> memref<10000x128xf32, #tpu.memory_space<hbm>>
      tpu.wait_indirect_dma semaphore(%arg21 : memref<!tpu.dma_semaphore, #tpu.memory_space<semaphore_mem>>) src(%dma_wait3A_101 : memref<10000x128xf32, #tpu.memory_space<hbm>>) dst(%dma_wait3A_96 : memref<128x128xf32, #tpu.memory_space<vmem>>)
      %dma_wait3A_102 = arith.constant 256 : i32
      %dma_wait3A_103 = arith.constant 0 : i32
      %dma_wait3A_104 = tpu.memref_slice %arg19[%dma_wait3A_102, %dma_wait3A_103] : memref<512x128xf32, #tpu.memory_space<vmem>> -> memref<128x128xf32, #tpu.memory_space<vmem>>
      %dma_wait3A_105 = arith.constant 256 : i32
      %dma_wait3A_106 = tpu.memref_slice %arg13[%dma_wait3A_105] : memref<512xi32, #tpu.memory_space<vmem>> -> memref<128xi32, #tpu.memory_space<vmem>>
      %dma_wait3A_107 = arith.constant 0 : i32
      %dma_wait3A_108 = arith.constant 0 : i32
      %dma_wait3A_109 = tpu.memref_slice %arg4[%dma_wait3A_107, %dma_wait3A_108] : memref<10000x128xf32, #tpu.memory_space<hbm>> -> memref<10000x128xf32, #tpu.memory_space<hbm>>
      tpu.wait_indirect_dma semaphore(%arg21 : memref<!tpu.dma_semaphore, #tpu.memory_space<semaphore_mem>>) src(%dma_wait3A_109 : memref<10000x128xf32, #tpu.memory_space<hbm>>) dst(%dma_wait3A_104 : memref<128x128xf32, #tpu.memory_space<vmem>>)
      %dma_wait3A_110 = arith.constant 384 : i32
      %dma_wait3A_111 = arith.constant 0 : i32
      %dma_wait3A_112 = tpu.memref_slice %arg19[%dma_wait3A_110, %dma_wait3A_111] : memref<512x128xf32, #tpu.memory_space<vmem>> -> memref<128x128xf32, #tpu.memory_space<vmem>>
      %dma_wait3A_113 = arith.constant 384 : i32
      %dma_wait3A_114 = tpu.memref_slice %arg13[%dma_wait3A_113] : memref<512xi32, #tpu.memory_space<vmem>> -> memref<128xi32, #tpu.memory_space<vmem>>
      %dma_wait3A_115 = arith.constant 0 : i32
      %dma_wait3A_116 = arith.constant 0 : i32
      %dma_wait3A_117 = tpu.memref_slice %arg4[%dma_wait3A_115, %dma_wait3A_116] : memref<10000x128xf32, #tpu.memory_space<hbm>> -> memref<10000x128xf32, #tpu.memory_space<hbm>>
      tpu.wait_indirect_dma semaphore(%arg21 : memref<!tpu.dma_semaphore, #tpu.memory_space<semaphore_mem>>) src(%dma_wait3A_117 : memref<10000x128xf32, #tpu.memory_space<hbm>>) dst(%dma_wait3A_112 : memref<128x128xf32, #tpu.memory_space<vmem>>)
      %scan3A_118 = arith.constant 0 : i32
      %scan3A_119 = arith.constant 0 : i32
      %scan3A_120 = arith.constant 16 : i32
      %scan3A_121 = arith.addi %scan3A_119, %scan3A_120 : i32
      %scan3A_122 = arith.constant 1 : i32
      scf.for %scan3A_126 = %scan3A_119 to %scan3A_121 step %scan3A_122  : i32 {
        %mul3A_127 = arith.constant 32 : i32
        %mul3A_128 = arith.muli %scan3A_126, %mul3A_127 : i32
        %broadcast_in_dim3A_129 = arith.constant 0.000000e+00 : f32
        %broadcast_in_dim3A_130 = vector.broadcast %broadcast_in_dim3A_129 : f32 to vector<16xf32>
        %broadcast_in_dim3A_131 = arith.constant 0.000000e+00 : f32
        %broadcast_in_dim3A_132 = vector.broadcast %broadcast_in_dim3A_131 : f32 to vector<16xf32>
        %broadcast_in_dim3A_133 = arith.constant 0.000000e+00 : f32
        %broadcast_in_dim3A_134 = vector.broadcast %broadcast_in_dim3A_133 : f32 to vector<16xf32>
        %broadcast_in_dim3A_135 = arith.constant 0.000000e+00 : f32
        %broadcast_in_dim3A_136 = vector.broadcast %broadcast_in_dim3A_135 : f32 to vector<16xf32>
        %broadcast_in_dim3A_137 = arith.constant 0.000000e+00 : f32
        %broadcast_in_dim3A_138 = vector.broadcast %broadcast_in_dim3A_137 : f32 to vector<16xf32>
        %broadcast_in_dim3A_139 = arith.constant 0.000000e+00 : f32
        %broadcast_in_dim3A_140 = vector.broadcast %broadcast_in_dim3A_139 : f32 to vector<16xf32>
        %broadcast_in_dim3A_141 = arith.constant 0.000000e+00 : f32
        %broadcast_in_dim3A_142 = vector.broadcast %broadcast_in_dim3A_141 : f32 to vector<16xf32>
        %broadcast_in_dim3A_143 = arith.constant 0.000000e+00 : f32
        %broadcast_in_dim3A_144 = vector.broadcast %broadcast_in_dim3A_143 : f32 to vector<16xf32>
        %scan3A_145 = arith.constant 0 : i32
        %scan3A_146 = arith.constant 32 : i32
        %scan3A_147 = arith.addi %scan3A_145, %scan3A_146 : i32
        %scan3A_148 = arith.constant 1 : i32
        %scan3A_149:8 = scf.for %scan3A_198 = %scan3A_145 to %scan3A_147 step %scan3A_148 iter_args(%scan3A_199 = %broadcast_in_dim3A_130, %scan3A_200 = %broadcast_in_dim3A_132, %scan3A_201 = %broadcast_in_dim3A_134, %scan3A_202 = %broadcast_in_dim3A_136, %scan3A_203 = %broadcast_in_dim3A_138, %scan3A_204 = %broadcast_in_dim3A_140, %scan3A_205 = %broadcast_in_dim3A_142, %scan3A_206 = %broadcast_in_dim3A_144) -> (vector<16xf32>, vector<16xf32>, vector<16xf32>, vector<16xf32>, vector<16xf32>, vector<16xf32>, vector<16xf32>, vector<16xf32>)  : i32 {
          %add3A_207 = arith.addi %mul3A_128, %scan3A_198 : i32
          %broadcast_in_dim3A_208 = vector.broadcast %add3A_207 : i32 to vector<16xi32>
          %gather3A_209 = tpu.vector_load_idx %arg17[%broadcast_in_dim3A_208] : memref<512xf32, #tpu.memory_space<vmem>>[vector<16xi32>], vector<16xf32>,
          %add3A_210 = arith.addi %mul3A_128, %scan3A_198 : i32
          %get3A = arith.index_cast %add3A_210 : i32 to index
          %get3A_211 = arith.constant 0 : index
          %get3A_212 = tpu.vector_load %arg19[%get3A, %get3A_211] {strides = array<i32>} : memref<512x128xf32, #tpu.memory_space<vmem>>, vector<16xf32>,
          %mul3A_213 = arith.mulf %gather3A_209, %get3A_212 : vector<16xf32>
          %add3A_214 = arith.addf %scan3A_199, %mul3A_213 : vector<16xf32>
          %add3A_215 = arith.addi %mul3A_128, %scan3A_198 : i32
          %get3A_216 = arith.index_cast %add3A_215 : i32 to index
          %get3A_217 = arith.constant 16 : index
          %get3A_218 = tpu.vector_load %arg19[%get3A_216, %get3A_217] {strides = array<i32>} : memref<512x128xf32, #tpu.memory_space<vmem>>, vector<16xf32>,
          %mul3A_219 = arith.mulf %gather3A_209, %get3A_218 : vector<16xf32>
          %add3A_220 = arith.addf %scan3A_200, %mul3A_219 : vector<16xf32>
          %add3A_221 = arith.addi %mul3A_128, %scan3A_198 : i32
          %get3A_222 = arith.index_cast %add3A_221 : i32 to index
          %get3A_223 = arith.constant 32 : index
          %get3A_224 = tpu.vector_load %arg19[%get3A_222, %get3A_223] {strides = array<i32>} : memref<512x128xf32, #tpu.memory_space<vmem>>, vector<16xf32>,
          %mul3A_225 = arith.mulf %gather3A_209, %get3A_224 : vector<16xf32>
          %add3A_226 = arith.addf %scan3A_201, %mul3A_225 : vector<16xf32>
          %add3A_227 = arith.addi %mul3A_128, %scan3A_198 : i32
          %get3A_228 = arith.index_cast %add3A_227 : i32 to index
          %get3A_229 = arith.constant 48 : index
          %get3A_230 = tpu.vector_load %arg19[%get3A_228, %get3A_229] {strides = array<i32>} : memref<512x128xf32, #tpu.memory_space<vmem>>, vector<16xf32>,
          %mul3A_231 = arith.mulf %gather3A_209, %get3A_230 : vector<16xf32>
          %add3A_232 = arith.addf %scan3A_202, %mul3A_231 : vector<16xf32>
          %add3A_233 = arith.addi %mul3A_128, %scan3A_198 : i32
          %get3A_234 = arith.index_cast %add3A_233 : i32 to index
          %get3A_235 = arith.constant 64 : index
          %get3A_236 = tpu.vector_load %arg19[%get3A_234, %get3A_235] {strides = array<i32>} : memref<512x128xf32, #tpu.memory_space<vmem>>, vector<16xf32>,
          %mul3A_237 = arith.mulf %gather3A_209, %get3A_236 : vector<16xf32>
          %add3A_238 = arith.addf %scan3A_203, %mul3A_237 : vector<16xf32>
          %add3A_239 = arith.addi %mul3A_128, %scan3A_198 : i32
          %get3A_240 = arith.index_cast %add3A_239 : i32 to index
          %get3A_241 = arith.constant 80 : index
          %get3A_242 = tpu.vector_load %arg19[%get3A_240, %get3A_241] {strides = array<i32>} : memref<512x128xf32, #tpu.memory_space<vmem>>, vector<16xf32>,
          %mul3A_243 = arith.mulf %gather3A_209, %get3A_242 : vector<16xf32>
          %add3A_244 = arith.addf %scan3A_204, %mul3A_243 : vector<16xf32>
          %add3A_245 = arith.addi %mul3A_128, %scan3A_198 : i32
          %get3A_246 = arith.index_cast %add3A_245 : i32 to index
          %get3A_247 = arith.constant 96 : index
          %get3A_248 = tpu.vector_load %arg19[%get3A_246, %get3A_247] {strides = array<i32>} : memref<512x128xf32, #tpu.memory_space<vmem>>, vector<16xf32>,
          %mul3A_249 = arith.mulf %gather3A_209, %get3A_248 : vector<16xf32>
          %add3A_250 = arith.addf %scan3A_205, %mul3A_249 : vector<16xf32>
          %add3A_251 = arith.addi %mul3A_128, %scan3A_198 : i32
          %get3A_252 = arith.index_cast %add3A_251 : i32 to index
          %get3A_253 = arith.constant 112 : index
          %get3A_254 = tpu.vector_load %arg19[%get3A_252, %get3A_253] {strides = array<i32>} : memref<512x128xf32, #tpu.memory_space<vmem>>, vector<16xf32>,
          %mul3A_255 = arith.mulf %gather3A_209, %get3A_254 : vector<16xf32>
          %add3A_256 = arith.addf %scan3A_206, %mul3A_255 : vector<16xf32>
          scf.yield %add3A_214, %add3A_220, %add3A_226, %add3A_232, %add3A_238, %add3A_244, %add3A_250, %add3A_256 : vector<16xf32>, vector<16xf32>, vector<16xf32>, vector<16xf32>, vector<16xf32>, vector<16xf32>, vector<16xf32>, vector<16xf32>
        }
        %scan3A_150 = arith.constant 32 : i32
        %mul3A_151 = arith.constant 128 : i32
        %mul3A_152 = arith.muli %scan3A_126, %mul3A_151 : i32
        %add3A_153 = arith.constant 0 : i32
        %add3A_154 = arith.addi %mul3A_152, %add3A_153 : i32
        %swap3A = arith.index_cast %add3A_154 : i32 to index
        %swap3A_155 = tpu.vector_load %arg20[%swap3A] {strides = array<i32>} : memref<2048xf32, #tpu.memory_space<vmem>>, vector<16xf32>,
        tpu.vector_store %arg20[%swap3A], %scan3A_149#0 {strides = array<i32>} : memref<2048xf32, #tpu.memory_space<vmem>>, vector<16xf32>,
        %mul3A_156 = arith.constant 128 : i32
        %mul3A_157 = arith.muli %scan3A_126, %mul3A_156 : i32
        %add3A_158 = arith.constant 16 : i32
        %add3A_159 = arith.addi %mul3A_157, %add3A_158 : i32
        %swap3A_160 = arith.index_cast %add3A_159 : i32 to index
        %swap3A_161 = tpu.vector_load %arg20[%swap3A_160] {strides = array<i32>} : memref<2048xf32, #tpu.memory_space<vmem>>, vector<16xf32>,
        tpu.vector_store %arg20[%swap3A_160], %scan3A_149#1 {strides = array<i32>} : memref<2048xf32, #tpu.memory_space<vmem>>, vector<16xf32>,
        %mul3A_162 = arith.constant 128 : i32
        %mul3A_163 = arith.muli %scan3A_126, %mul3A_162 : i32
        %add3A_164 = arith.constant 32 : i32
        %add3A_165 = arith.addi %mul3A_163, %add3A_164 : i32
        %swap3A_166 = arith.index_cast %add3A_165 : i32 to index
        %swap3A_167 = tpu.vector_load %arg20[%swap3A_166] {strides = array<i32>} : memref<2048xf32, #tpu.memory_space<vmem>>, vector<16xf32>,
        tpu.vector_store %arg20[%swap3A_166], %scan3A_149#2 {strides = array<i32>} : memref<2048xf32, #tpu.memory_space<vmem>>, vector<16xf32>,
        %mul3A_168 = arith.constant 128 : i32
        %mul3A_169 = arith.muli %scan3A_126, %mul3A_168 : i32
        %add3A_170 = arith.constant 48 : i32
        %add3A_171 = arith.addi %mul3A_169, %add3A_170 : i32
        %swap3A_172 = arith.index_cast %add3A_171 : i32 to index
        %swap3A_173 = tpu.vector_load %arg20[%swap3A_172] {strides = array<i32>} : memref<2048xf32, #tpu.memory_space<vmem>>, vector<16xf32>,
        tpu.vector_store %arg20[%swap3A_172], %scan3A_149#3 {strides = array<i32>} : memref<2048xf32, #tpu.memory_space<vmem>>, vector<16xf32>,
        %mul3A_174 = arith.constant 128 : i32
        %mul3A_175 = arith.muli %scan3A_126, %mul3A_174 : i32
        %add3A_176 = arith.constant 64 : i32
        %add3A_177 = arith.addi %mul3A_175, %add3A_176 : i32
        %swap3A_178 = arith.index_cast %add3A_177 : i32 to index
        %swap3A_179 = tpu.vector_load %arg20[%swap3A_178] {strides = array<i32>} : memref<2048xf32, #tpu.memory_space<vmem>>, vector<16xf32>,
        tpu.vector_store %arg20[%swap3A_178], %scan3A_149#4 {strides = array<i32>} : memref<2048xf32, #tpu.memory_space<vmem>>, vector<16xf32>,
        %mul3A_180 = arith.constant 128 : i32
        %mul3A_181 = arith.muli %scan3A_126, %mul3A_180 : i32
        %add3A_182 = arith.constant 80 : i32
        %add3A_183 = arith.addi %mul3A_181, %add3A_182 : i32
        %swap3A_184 = arith.index_cast %add3A_183 : i32 to index
        %swap3A_185 = tpu.vector_load %arg20[%swap3A_184] {strides = array<i32>} : memref<2048xf32, #tpu.memory_space<vmem>>, vector<16xf32>,
        tpu.vector_store %arg20[%swap3A_184], %scan3A_149#5 {strides = array<i32>} : memref<2048xf32, #tpu.memory_space<vmem>>, vector<16xf32>,
        %mul3A_186 = arith.constant 128 : i32
        %mul3A_187 = arith.muli %scan3A_126, %mul3A_186 : i32
        %add3A_188 = arith.constant 96 : i32
        %add3A_189 = arith.addi %mul3A_187, %add3A_188 : i32
        %swap3A_190 = arith.index_cast %add3A_189 : i32 to index
        %swap3A_191 = tpu.vector_load %arg20[%swap3A_190] {strides = array<i32>} : memref<2048xf32, #tpu.memory_space<vmem>>, vector<16xf32>,
        tpu.vector_store %arg20[%swap3A_190], %scan3A_149#6 {strides = array<i32>} : memref<2048xf32, #tpu.memory_space<vmem>>, vector<16xf32>,
        %mul3A_192 = arith.constant 128 : i32
        %mul3A_193 = arith.muli %scan3A_126, %mul3A_192 : i32
        %add3A_194 = arith.constant 112 : i32
        %add3A_195 = arith.addi %mul3A_193, %add3A_194 : i32
        %swap3A_196 = arith.index_cast %add3A_195 : i32 to index
        %swap3A_197 = tpu.vector_load %arg20[%swap3A_196] {strides = array<i32>} : memref<2048xf32, #tpu.memory_space<vmem>>, vector<16xf32>,
        tpu.vector_store %arg20[%swap3A_196], %scan3A_149#7 {strides = array<i32>} : memref<2048xf32, #tpu.memory_space<vmem>>, vector<16xf32>,
      }
      %scan3A_123 = arith.constant 16 : i32
      %mul3A_124 = arith.constant 128 : i32
      %mul3A_125 = arith.muli %mul3A_23, %mul3A_124 : i32
      "tpu.region"() ({
        %run_scoped3A_126 = tpu.sem_alloc : memref<!tpu.dma_semaphore, #tpu.memory_space<semaphore_mem>>
        %dma_start3A_127 = tpu.memref_slice %arg7[%mul3A_125] : memref<1280000xf32, #tpu.memory_space<hbm>> -> memref<2048xf32, #tpu.memory_space<hbm>>
        %dma_start3A_128 = tpu.memref_slice %arg7[%mul3A_125] : memref<1280000xf32, #tpu.memory_space<hbm>> -> memref<2048xf32, #tpu.memory_space<hbm>>
        tpu.enqueue_dma source(%arg20 : memref<2048xf32, #tpu.memory_space<vmem>>) target(%dma_start3A_128 : memref<2048xf32, #tpu.memory_space<hbm>>) target_semaphore(%run_scoped3A_126 : memref<!tpu.dma_semaphore, #tpu.memory_space<semaphore_mem>>)
        %dma_wait3A_129 = tpu.memref_slice %arg7[%mul3A_125] : memref<1280000xf32, #tpu.memory_space<hbm>> -> memref<2048xf32, #tpu.memory_space<hbm>>
        %dma_wait3A_130 = tpu.memref_slice %arg7[%mul3A_125] : memref<1280000xf32, #tpu.memory_space<hbm>> -> memref<2048xf32, #tpu.memory_space<hbm>>
        tpu.wait_dma2 semaphore(%run_scoped3A_126 : memref<!tpu.dma_semaphore, #tpu.memory_space<semaphore_mem>>) src(%arg20 : memref<2048xf32, #tpu.memory_space<vmem>>) dst(%dma_wait3A_130 : memref<2048xf32, #tpu.memory_space<hbm>>)
        tpu.yield
      }) : () -> ()
    }
    %while3A_17 = arith.constant 1 : i32
    scf.for %while3A_18 = %while3A_15 to %while3A_11 step %while3A_17  : i32 {
      %mul3A_19 = arith.constant 32 : i32
      %mul3A_20 = arith.muli %while3A_18, %mul3A_19 : i32
      %add3A_21 = arith.addi %add3A, %mul3A_20 : i32
      %mul3A_22 = arith.constant 16 : i32
      %mul3A_23 = arith.muli %add3A_21, %mul3A_22 : i32
      %mul3A_24 = arith.constant 32 : i32
      %mul3A_25 = arith.muli %mul3A_23, %mul3A_24 : i32
      "tpu.region"() ({
        %run_scoped3A_126 = tpu.sem_alloc : memref<!tpu.dma_semaphore, #tpu.memory_space<semaphore_mem>>
        %dma_start3A_127 = tpu.memref_slice %arg2[%mul3A_25] : memref<320000xi32, #tpu.memory_space<hbm>> -> memref<512xi32, #tpu.memory_space<hbm>>
        %dma_start3A_128 = tpu.memref_slice %arg2[%mul3A_25] : memref<320000xi32, #tpu.memory_space<hbm>> -> memref<512xi32, #tpu.memory_space<hbm>>
        tpu.enqueue_dma source(%dma_start3A_128 : memref<512xi32, #tpu.memory_space<hbm>>) target(%arg13 : memref<512xi32, #tpu.memory_space<vmem>>) target_semaphore(%run_scoped3A_126 : memref<!tpu.dma_semaphore, #tpu.memory_space<semaphore_mem>>)
        %dma_wait3A_129 = tpu.memref_slice %arg2[%mul3A_25] : memref<320000xi32, #tpu.memory_space<hbm>> -> memref<512xi32, #tpu.memory_space<hbm>>
        %dma_wait3A_130 = tpu.memref_slice %arg2[%mul3A_25] : memref<320000xi32, #tpu.memory_space<hbm>> -> memref<512xi32, #tpu.memory_space<hbm>>
        tpu.wait_dma2 semaphore(%run_scoped3A_126 : memref<!tpu.dma_semaphore, #tpu.memory_space<semaphore_mem>>) src(%dma_wait3A_130 : memref<512xi32, #tpu.memory_space<hbm>>) dst(%arg13 : memref<512xi32, #tpu.memory_space<vmem>>)
        tpu.yield
      }) : () -> ()
      %dma_start3A = arith.constant 0 : i32
      %dma_start3A_26 = arith.constant 0 : i32
      %dma_start3A_27 = tpu.memref_slice %arg19[%dma_start3A, %dma_start3A_26] : memref<512x128xf32, #tpu.memory_space<vmem>> -> memref<128x128xf32, #tpu.memory_space<vmem>>
      %dma_start3A_28 = arith.constant 0 : i32
      %dma_start3A_29 = tpu.memref_slice %arg13[%dma_start3A_28] : memref<512xi32, #tpu.memory_space<vmem>> -> memref<128xi32, #tpu.memory_space<vmem>>
      %dma_start3A_30 = arith.constant 0 : i32
      %dma_start3A_31 = arith.constant 0 : i32
      %dma_start3A_32 = tpu.memref_slice %arg4[%dma_start3A_30, %dma_start3A_31] : memref<10000x128xf32, #tpu.memory_space<hbm>> -> memref<10000x128xf32, #tpu.memory_space<hbm>>
      tpu.enqueue_indirect_dma source(%dma_start3A_32 : memref<10000x128xf32, #tpu.memory_space<hbm>>) target(%dma_start3A_27 : memref<128x128xf32, #tpu.memory_space<vmem>>) offsets(%dma_start3A_29 : memref<128xi32, #tpu.memory_space<vmem>>) semaphore(%arg21 : memref<!tpu.dma_semaphore, #tpu.memory_space<semaphore_mem>>)
      %dma_start3A_33 = arith.constant 128 : i32
      %dma_start3A_34 = arith.constant 0 : i32
      %dma_start3A_35 = tpu.memref_slice %arg19[%dma_start3A_33, %dma_start3A_34] : memref<512x128xf32, #tpu.memory_space<vmem>> -> memref<128x128xf32, #tpu.memory_space<vmem>>
      %dma_start3A_36 = arith.constant 128 : i32
      %dma_start3A_37 = tpu.memref_slice %arg13[%dma_start3A_36] : memref<512xi32, #tpu.memory_space<vmem>> -> memref<128xi32, #tpu.memory_space<vmem>>
      %dma_start3A_38 = arith.constant 0 : i32
      %dma_start3A_39 = arith.constant 0 : i32
      %dma_start3A_40 = tpu.memref_slice %arg4[%dma_start3A_38, %dma_start3A_39] : memref<10000x128xf32, #tpu.memory_space<hbm>> -> memref<10000x128xf32, #tpu.memory_space<hbm>>
      tpu.enqueue_indirect_dma source(%dma_start3A_40 : memref<10000x128xf32, #tpu.memory_space<hbm>>) target(%dma_start3A_35 : memref<128x128xf32, #tpu.memory_space<vmem>>) offsets(%dma_start3A_37 : memref<128xi32, #tpu.memory_space<vmem>>) semaphore(%arg21 : memref<!tpu.dma_semaphore, #tpu.memory_space<semaphore_mem>>)
      %dma_start3A_41 = arith.constant 256 : i32
      %dma_start3A_42 = arith.constant 0 : i32
      %dma_start3A_43 = tpu.memref_slice %arg19[%dma_start3A_41, %dma_start3A_42] : memref<512x128xf32, #tpu.memory_space<vmem>> -> memref<128x128xf32, #tpu.memory_space<vmem>>
      %dma_start3A_44 = arith.constant 256 : i32
      %dma_start3A_45 = tpu.memref_slice %arg13[%dma_start3A_44] : memref<512xi32, #tpu.memory_space<vmem>> -> memref<128xi32, #tpu.memory_space<vmem>>
      %dma_start3A_46 = arith.constant 0 : i32
      %dma_start3A_47 = arith.constant 0 : i32
      %dma_start3A_48 = tpu.memref_slice %arg4[%dma_start3A_46, %dma_start3A_47] : memref<10000x128xf32, #tpu.memory_space<hbm>> -> memref<10000x128xf32, #tpu.memory_space<hbm>>
      tpu.enqueue_indirect_dma source(%dma_start3A_48 : memref<10000x128xf32, #tpu.memory_space<hbm>>) target(%dma_start3A_43 : memref<128x128xf32, #tpu.memory_space<vmem>>) offsets(%dma_start3A_45 : memref<128xi32, #tpu.memory_space<vmem>>) semaphore(%arg21 : memref<!tpu.dma_semaphore, #tpu.memory_space<semaphore_mem>>)
      %dma_start3A_49 = arith.constant 384 : i32
      %dma_start3A_50 = arith.constant 0 : i32
      %dma_start3A_51 = tpu.memref_slice %arg19[%dma_start3A_49, %dma_start3A_50] : memref<512x128xf32, #tpu.memory_space<vmem>> -> memref<128x128xf32, #tpu.memory_space<vmem>>
      %dma_start3A_52 = arith.constant 384 : i32
      %dma_start3A_53 = tpu.memref_slice %arg13[%dma_start3A_52] : memref<512xi32, #tpu.memory_space<vmem>> -> memref<128xi32, #tpu.memory_space<vmem>>
      %dma_start3A_54 = arith.constant 0 : i32
      %dma_start3A_55 = arith.constant 0 : i32
      %dma_start3A_56 = tpu.memref_slice %arg4[%dma_start3A_54, %dma_start3A_55] : memref<10000x128xf32, #tpu.memory_space<hbm>> -> memref<10000x128xf32, #tpu.memory_space<hbm>>
      tpu.enqueue_indirect_dma source(%dma_start3A_56 : memref<10000x128xf32, #tpu.memory_space<hbm>>) target(%dma_start3A_51 : memref<128x128xf32, #tpu.memory_space<vmem>>) offsets(%dma_start3A_53 : memref<128xi32, #tpu.memory_space<vmem>>) semaphore(%arg21 : memref<!tpu.dma_semaphore, #tpu.memory_space<semaphore_mem>>)
      %add3A_57 = vector.broadcast %mul3A_23 : i32 to vector<16xi32>
      %add3A_58 = arith.addi %add3A_57, %iota3A : vector<16xi32>
      %gather3A = tpu.vector_load_idx %arg9[%add3A_58] : memref<10000xf32, #tpu.memory_space<vmem>>[vector<16xi32>], vector<16xf32>,
      %broadcast_in_dim3A = arith.constant -1.000000e+30 : f32
      %broadcast_in_dim3A_59 = vector.broadcast %broadcast_in_dim3A : f32 to vector<16xf32>
      %scan3A = arith.constant 0 : i32
      %scan3A_60 = arith.constant 32 : i32
      %scan3A_61 = arith.addi %scan3A, %scan3A_60 : i32
      %scan3A_62 = arith.constant 1 : i32
      %scan3A_63 = scf.for %scan3A_126 = %scan3A to %scan3A_61 step %scan3A_62 iter_args(%scan3A_127 = %broadcast_in_dim3A_59) -> (vector<16xf32>)  : i32 {
        %add3A_128 = vector.broadcast %scan3A_126 : i32 to vector<16xi32>
        %add3A_129 = arith.addi %mul3A_6, %add3A_128 : vector<16xi32>
        %gather3A_130 = tpu.vector_load_idx %arg13[%add3A_129] : memref<512xi32, #tpu.memory_space<vmem>>[vector<16xi32>], vector<16xi32>,
        %gather3A_131 = tpu.vector_load_idx %arg8[%gather3A_130] : memref<10000xf32, #tpu.memory_space<vmem>>[vector<16xi32>], vector<16xf32>,
        %gather3A_132 = tpu.vector_load_idx %arg10[%gather3A_130] : memref<10000xf32, #tpu.memory_space<vmem>>[vector<16xi32>], vector<16xf32>,
        %gather3A_133 = tpu.vector_load_idx %arg11[%gather3A_130] : memref<10000xf32, #tpu.memory_space<vmem>>[vector<16xi32>], vector<16xf32>,
        %add3A_134 = arith.addf %gather3A_131, %gather3A : vector<16xf32>
        %ge3A = arith.constant 0.000000e+00 : f32
        %ge3A_135 = vector.broadcast %ge3A : f32 to vector<16xf32>
        %ge3A_136 = arith.cmpf oge, %add3A_134, %ge3A_135 : vector<16xf32>
        %mul3A_137 = arith.constant 0.00999999977 : f32
        %mul3A_138 = vector.broadcast %mul3A_137 : f32 to vector<16xf32>
        %mul3A_139 = arith.mulf %add3A_134, %mul3A_138 : vector<16xf32>
        %select_n3A_140 = arith.select %ge3A_136, %add3A_134, %mul3A_139 : vector<16xi1>, vector<16xf32>
        %mul3A_141 = arith.constant 16 : i32
        %mul3A_142 = arith.muli %scan3A_126, %mul3A_141 : i32
        %swap3A = arith.index_cast %mul3A_142 : i32 to index
        %swap3A_143 = tpu.vector_load %arg14[%swap3A] {strides = array<i32>} : memref<512xf32, #tpu.memory_space<vmem>>, vector<16xf32>,
        tpu.vector_store %arg14[%swap3A], %select_n3A_140 {strides = array<i32>} : memref<512xf32, #tpu.memory_space<vmem>>, vector<16xf32>,
        %mul3A_144 = arith.constant 16 : i32
        %mul3A_145 = arith.muli %scan3A_126, %mul3A_144 : i32
        %swap3A_146 = arith.index_cast %mul3A_145 : i32 to index
        %swap3A_147 = tpu.vector_load %arg15[%swap3A_146] {strides = array<i32>} : memref<512xf32, #tpu.memory_space<vmem>>, vector<16xf32>,
        tpu.vector_store %arg15[%swap3A_146], %gather3A_132 {strides = array<i32>} : memref<512xf32, #tpu.memory_space<vmem>>, vector<16xf32>,
        %mul3A_148 = arith.constant 16 : i32
        %mul3A_149 = arith.muli %scan3A_126, %mul3A_148 : i32
        %swap3A_150 = arith.index_cast %mul3A_149 : i32 to index
        %swap3A_151 = tpu.vector_load %arg16[%swap3A_150] {strides = array<i32>} : memref<512xf32, #tpu.memory_space<vmem>>, vector<16xf32>,
        tpu.vector_store %arg16[%swap3A_150], %gather3A_133 {strides = array<i32>} : memref<512xf32, #tpu.memory_space<vmem>>, vector<16xf32>,
        %max3A = arith.maximumf %scan3A_127, %select_n3A_140 : vector<16xf32>
        scf.yield %max3A : vector<16xf32>
      }
      %scan3A_64 = arith.constant 32 : i32
      %broadcast_in_dim3A_65 = arith.constant 0.000000e+00 : f32
      %broadcast_in_dim3A_66 = vector.broadcast %broadcast_in_dim3A_65 : f32 to vector<16xf32>
      %scan3A_67 = arith.constant 0 : i32
      %scan3A_68 = arith.constant 32 : i32
      %scan3A_69 = arith.addi %scan3A_67, %scan3A_68 : i32
      %scan3A_70 = arith.constant 1 : i32
      %scan3A_71 = scf.for %scan3A_126 = %scan3A_67 to %scan3A_69 step %scan3A_70 iter_args(%scan3A_127 = %broadcast_in_dim3A_66) -> (vector<16xf32>)  : i32 {
        %mul3A_128 = arith.constant 16 : i32
        %mul3A_129 = arith.muli %scan3A_126, %mul3A_128 : i32
        %get3A = arith.index_cast %mul3A_129 : i32 to index
        %get3A_130 = tpu.vector_load %arg14[%get3A] {strides = array<i32>} : memref<512xf32, #tpu.memory_space<vmem>>, vector<16xf32>,
        %sub3A = arith.subf %get3A_130, %scan3A_63 : vector<16xf32>
        %exp3A = math.exp %sub3A : vector<16xf32>
        %mul3A_131 = arith.constant 16 : i32
        %mul3A_132 = arith.muli %scan3A_126, %mul3A_131 : i32
        %swap3A = arith.index_cast %mul3A_132 : i32 to index
        %swap3A_133 = tpu.vector_load %arg14[%swap3A] {strides = array<i32>} : memref<512xf32, #tpu.memory_space<vmem>>, vector<16xf32>,
        tpu.vector_store %arg14[%swap3A], %exp3A {strides = array<i32>} : memref<512xf32, #tpu.memory_space<vmem>>, vector<16xf32>,
        %add3A_134 = arith.addf %scan3A_127, %exp3A : vector<16xf32>
        scf.yield %add3A_134 : vector<16xf32>
      }
      %scan3A_72 = arith.constant 32 : i32
      %div3A = arith.constant 1.000000e+00 : f32
      %div3A_73 = vector.broadcast %div3A : f32 to vector<16xf32>
      %div3A_74 = arith.divf %div3A_73, %scan3A_71 : vector<16xf32>
      %scan3A_75 = arith.constant 0 : i32
      %scan3A_76 = arith.constant 0 : i32
      %scan3A_77 = arith.constant 32 : i32
      %scan3A_78 = arith.addi %scan3A_76, %scan3A_77 : i32
      %scan3A_79 = arith.constant 1 : i32
      scf.for %scan3A_126 = %scan3A_76 to %scan3A_78 step %scan3A_79  : i32 {
        %mul3A_127 = arith.constant 16 : i32
        %mul3A_128 = arith.muli %scan3A_126, %mul3A_127 : i32
        %get3A = arith.index_cast %mul3A_128 : i32 to index
        %get3A_129 = tpu.vector_load %arg14[%get3A] {strides = array<i32>} : memref<512xf32, #tpu.memory_space<vmem>>, vector<16xf32>,
        %mul3A_130 = arith.mulf %get3A_129, %div3A_74 : vector<16xf32>
        %mul3A_131 = arith.constant 16 : i32
        %mul3A_132 = arith.muli %scan3A_126, %mul3A_131 : i32
        %swap3A = arith.index_cast %mul3A_132 : i32 to index
        %swap3A_133 = tpu.vector_load %arg14[%swap3A] {strides = array<i32>} : memref<512xf32, #tpu.memory_space<vmem>>, vector<16xf32>,
        tpu.vector_store %arg14[%swap3A], %mul3A_130 {strides = array<i32>} : memref<512xf32, #tpu.memory_space<vmem>>, vector<16xf32>,
        %broadcast_in_dim3A_134 = vector.broadcast %scan3A_126 : i32 to vector<16xi32>
        %gather3A_135 = tpu.vector_load_idx %arg12[%broadcast_in_dim3A_134] : memref<32xf32, #tpu.memory_space<vmem>>[vector<16xi32>], vector<16xf32>,
        %add3A_136 = vector.broadcast %scan3A_126 : i32 to vector<16xi32>
        %add3A_137 = arith.addi %mul3A_6, %add3A_136 : vector<16xi32>
        %mul3A_138 = arith.mulf %mul3A_130, %gather3A_135 : vector<16xf32>
        tpu.vector_store_idx %arg17[%add3A_137], %mul3A_138 : memref<512xf32, #tpu.memory_space<vmem>>[vector<16xi32>], vector<16xf32>,
      }
      %scan3A_80 = arith.constant 32 : i32
      %scan3A_81 = arith.constant 0 : i32
      %scan3A_82 = arith.constant 0 : i32
      %scan3A_83 = arith.constant 31 : i32
      %scan3A_84 = arith.addi %scan3A_82, %scan3A_83 : i32
      %scan3A_85 = arith.constant 1 : i32
      scf.for %scan3A_126 = %scan3A_82 to %scan3A_84 step %scan3A_85  : i32 {
        %mul3A_127 = arith.constant 16 : i32
        %mul3A_128 = arith.muli %scan3A_126, %mul3A_127 : i32
        %get3A = arith.index_cast %mul3A_128 : i32 to index
        %get3A_129 = tpu.vector_load %arg14[%get3A] {strides = array<i32>} : memref<512xf32, #tpu.memory_space<vmem>>, vector<16xf32>,
        %mul3A_130 = arith.constant 16 : i32
        %mul3A_131 = arith.muli %scan3A_126, %mul3A_130 : i32
        %add3A_132 = arith.constant 16 : i32
        %add3A_133 = arith.addi %mul3A_131, %add3A_132 : i32
        %get3A_134 = arith.index_cast %add3A_133 : i32 to index
        %get3A_135 = tpu.vector_load %arg14[%get3A_134] {strides = array<i32>} : memref<512xf32, #tpu.memory_space<vmem>>, vector<16xf32>,
        %mul3A_136 = arith.constant 16 : i32
        %mul3A_137 = arith.muli %scan3A_126, %mul3A_136 : i32
        %get3A_138 = arith.index_cast %mul3A_137 : i32 to index
        %get3A_139 = tpu.vector_load %arg15[%get3A_138] {strides = array<i32>} : memref<512xf32, #tpu.memory_space<vmem>>, vector<16xf32>,
        %mul3A_140 = arith.mulf %get3A_129, %get3A_139 : vector<16xf32>
        %mul3A_141 = arith.constant 16 : i32
        %mul3A_142 = arith.muli %scan3A_126, %mul3A_141 : i32
        %add3A_143 = arith.constant 16 : i32
        %add3A_144 = arith.addi %mul3A_142, %add3A_143 : i32
        %get3A_145 = arith.index_cast %add3A_144 : i32 to index
        %get3A_146 = tpu.vector_load %arg16[%get3A_145] {strides = array<i32>} : memref<512xf32, #tpu.memory_space<vmem>>, vector<16xf32>,
        %mul3A_147 = arith.mulf %get3A_135, %get3A_146 : vector<16xf32>
        %add3A_148 = arith.addf %mul3A_140, %mul3A_147 : vector<16xf32>
        %add3A_149 = vector.broadcast %scan3A_126 : i32 to vector<16xi32>
        %add3A_150 = arith.addi %mul3A_6, %add3A_149 : vector<16xi32>
        tpu.vector_store_idx %arg18[%add3A_150], %add3A_148 : memref<512xf32, #tpu.memory_space<vmem>>[vector<16xi32>], vector<16xf32>,
      }
      %scan3A_86 = arith.constant 31 : i32
      "tpu.region"() ({
        %run_scoped3A_126 = tpu.sem_alloc : memref<!tpu.dma_semaphore, #tpu.memory_space<semaphore_mem>>
        %dma_start3A_127 = tpu.memref_slice %arg6[%mul3A_25] : memref<320000xf32, #tpu.memory_space<hbm>> -> memref<512xf32, #tpu.memory_space<hbm>>
        %dma_start3A_128 = tpu.memref_slice %arg6[%mul3A_25] : memref<320000xf32, #tpu.memory_space<hbm>> -> memref<512xf32, #tpu.memory_space<hbm>>
        tpu.enqueue_dma source(%arg18 : memref<512xf32, #tpu.memory_space<vmem>>) target(%dma_start3A_128 : memref<512xf32, #tpu.memory_space<hbm>>) target_semaphore(%run_scoped3A_126 : memref<!tpu.dma_semaphore, #tpu.memory_space<semaphore_mem>>)
        %dma_wait3A_129 = tpu.memref_slice %arg6[%mul3A_25] : memref<320000xf32, #tpu.memory_space<hbm>> -> memref<512xf32, #tpu.memory_space<hbm>>
        %dma_wait3A_130 = tpu.memref_slice %arg6[%mul3A_25] : memref<320000xf32, #tpu.memory_space<hbm>> -> memref<512xf32, #tpu.memory_space<hbm>>
        tpu.wait_dma2 semaphore(%run_scoped3A_126 : memref<!tpu.dma_semaphore, #tpu.memory_space<semaphore_mem>>) src(%arg18 : memref<512xf32, #tpu.memory_space<vmem>>) dst(%dma_wait3A_130 : memref<512xf32, #tpu.memory_space<hbm>>)
        tpu.yield
      }) : () -> ()
      %dma_wait3A = arith.constant 0 : i32
      %dma_wait3A_87 = arith.constant 0 : i32
      %dma_wait3A_88 = tpu.memref_slice %arg19[%dma_wait3A, %dma_wait3A_87] : memref<512x128xf32, #tpu.memory_space<vmem>> -> memref<128x128xf32, #tpu.memory_space<vmem>>
      %dma_wait3A_89 = arith.constant 0 : i32
      %dma_wait3A_90 = tpu.memref_slice %arg13[%dma_wait3A_89] : memref<512xi32, #tpu.memory_space<vmem>> -> memref<128xi32, #tpu.memory_space<vmem>>
      %dma_wait3A_91 = arith.constant 0 : i32
      %dma_wait3A_92 = arith.constant 0 : i32
      %dma_wait3A_93 = tpu.memref_slice %arg4[%dma_wait3A_91, %dma_wait3A_92] : memref<10000x128xf32, #tpu.memory_space<hbm>> -> memref<10000x128xf32, #tpu.memory_space<hbm>>
      tpu.wait_indirect_dma semaphore(%arg21 : memref<!tpu.dma_semaphore, #tpu.memory_space<semaphore_mem>>) src(%dma_wait3A_93 : memref<10000x128xf32, #tpu.memory_space<hbm>>) dst(%dma_wait3A_88 : memref<128x128xf32, #tpu.memory_space<vmem>>)
      %dma_wait3A_94 = arith.constant 128 : i32
      %dma_wait3A_95 = arith.constant 0 : i32
      %dma_wait3A_96 = tpu.memref_slice %arg19[%dma_wait3A_94, %dma_wait3A_95] : memref<512x128xf32, #tpu.memory_space<vmem>> -> memref<128x128xf32, #tpu.memory_space<vmem>>
      %dma_wait3A_97 = arith.constant 128 : i32
      %dma_wait3A_98 = tpu.memref_slice %arg13[%dma_wait3A_97] : memref<512xi32, #tpu.memory_space<vmem>> -> memref<128xi32, #tpu.memory_space<vmem>>
      %dma_wait3A_99 = arith.constant 0 : i32
      %dma_wait3A_100 = arith.constant 0 : i32
      %dma_wait3A_101 = tpu.memref_slice %arg4[%dma_wait3A_99, %dma_wait3A_100] : memref<10000x128xf32, #tpu.memory_space<hbm>> -> memref<10000x128xf32, #tpu.memory_space<hbm>>
      tpu.wait_indirect_dma semaphore(%arg21 : memref<!tpu.dma_semaphore, #tpu.memory_space<semaphore_mem>>) src(%dma_wait3A_101 : memref<10000x128xf32, #tpu.memory_space<hbm>>) dst(%dma_wait3A_96 : memref<128x128xf32, #tpu.memory_space<vmem>>)
      %dma_wait3A_102 = arith.constant 256 : i32
      %dma_wait3A_103 = arith.constant 0 : i32
      %dma_wait3A_104 = tpu.memref_slice %arg19[%dma_wait3A_102, %dma_wait3A_103] : memref<512x128xf32, #tpu.memory_space<vmem>> -> memref<128x128xf32, #tpu.memory_space<vmem>>
      %dma_wait3A_105 = arith.constant 256 : i32
      %dma_wait3A_106 = tpu.memref_slice %arg13[%dma_wait3A_105] : memref<512xi32, #tpu.memory_space<vmem>> -> memref<128xi32, #tpu.memory_space<vmem>>
      %dma_wait3A_107 = arith.constant 0 : i32
      %dma_wait3A_108 = arith.constant 0 : i32
      %dma_wait3A_109 = tpu.memref_slice %arg4[%dma_wait3A_107, %dma_wait3A_108] : memref<10000x128xf32, #tpu.memory_space<hbm>> -> memref<10000x128xf32, #tpu.memory_space<hbm>>
      tpu.wait_indirect_dma semaphore(%arg21 : memref<!tpu.dma_semaphore, #tpu.memory_space<semaphore_mem>>) src(%dma_wait3A_109 : memref<10000x128xf32, #tpu.memory_space<hbm>>) dst(%dma_wait3A_104 : memref<128x128xf32, #tpu.memory_space<vmem>>)
      %dma_wait3A_110 = arith.constant 384 : i32
      %dma_wait3A_111 = arith.constant 0 : i32
      %dma_wait3A_112 = tpu.memref_slice %arg19[%dma_wait3A_110, %dma_wait3A_111] : memref<512x128xf32, #tpu.memory_space<vmem>> -> memref<128x128xf32, #tpu.memory_space<vmem>>
      %dma_wait3A_113 = arith.constant 384 : i32
      %dma_wait3A_114 = tpu.memref_slice %arg13[%dma_wait3A_113] : memref<512xi32, #tpu.memory_space<vmem>> -> memref<128xi32, #tpu.memory_space<vmem>>
      %dma_wait3A_115 = arith.constant 0 : i32
      %dma_wait3A_116 = arith.constant 0 : i32
      %dma_wait3A_117 = tpu.memref_slice %arg4[%dma_wait3A_115, %dma_wait3A_116] : memref<10000x128xf32, #tpu.memory_space<hbm>> -> memref<10000x128xf32, #tpu.memory_space<hbm>>
      tpu.wait_indirect_dma semaphore(%arg21 : memref<!tpu.dma_semaphore, #tpu.memory_space<semaphore_mem>>) src(%dma_wait3A_117 : memref<10000x128xf32, #tpu.memory_space<hbm>>) dst(%dma_wait3A_112 : memref<128x128xf32, #tpu.memory_space<vmem>>)
      %scan3A_118 = arith.constant 0 : i32
      %scan3A_119 = arith.constant 0 : i32
      %scan3A_120 = arith.constant 16 : i32
      %scan3A_121 = arith.addi %scan3A_119, %scan3A_120 : i32
      %scan3A_122 = arith.constant 1 : i32
      scf.for %scan3A_126 = %scan3A_119 to %scan3A_121 step %scan3A_122  : i32 {
        %mul3A_127 = arith.constant 32 : i32
        %mul3A_128 = arith.muli %scan3A_126, %mul3A_127 : i32
        %broadcast_in_dim3A_129 = arith.constant 0.000000e+00 : f32
        %broadcast_in_dim3A_130 = vector.broadcast %broadcast_in_dim3A_129 : f32 to vector<16xf32>
        %broadcast_in_dim3A_131 = arith.constant 0.000000e+00 : f32
        %broadcast_in_dim3A_132 = vector.broadcast %broadcast_in_dim3A_131 : f32 to vector<16xf32>
        %broadcast_in_dim3A_133 = arith.constant 0.000000e+00 : f32
        %broadcast_in_dim3A_134 = vector.broadcast %broadcast_in_dim3A_133 : f32 to vector<16xf32>
        %broadcast_in_dim3A_135 = arith.constant 0.000000e+00 : f32
        %broadcast_in_dim3A_136 = vector.broadcast %broadcast_in_dim3A_135 : f32 to vector<16xf32>
        %broadcast_in_dim3A_137 = arith.constant 0.000000e+00 : f32
        %broadcast_in_dim3A_138 = vector.broadcast %broadcast_in_dim3A_137 : f32 to vector<16xf32>
        %broadcast_in_dim3A_139 = arith.constant 0.000000e+00 : f32
        %broadcast_in_dim3A_140 = vector.broadcast %broadcast_in_dim3A_139 : f32 to vector<16xf32>
        %broadcast_in_dim3A_141 = arith.constant 0.000000e+00 : f32
        %broadcast_in_dim3A_142 = vector.broadcast %broadcast_in_dim3A_141 : f32 to vector<16xf32>
        %broadcast_in_dim3A_143 = arith.constant 0.000000e+00 : f32
        %broadcast_in_dim3A_144 = vector.broadcast %broadcast_in_dim3A_143 : f32 to vector<16xf32>
        %scan3A_145 = arith.constant 0 : i32
        %scan3A_146 = arith.constant 32 : i32
        %scan3A_147 = arith.addi %scan3A_145, %scan3A_146 : i32
        %scan3A_148 = arith.constant 1 : i32
        %scan3A_149:8 = scf.for %scan3A_198 = %scan3A_145 to %scan3A_147 step %scan3A_148 iter_args(%scan3A_199 = %broadcast_in_dim3A_130, %scan3A_200 = %broadcast_in_dim3A_132, %scan3A_201 = %broadcast_in_dim3A_134, %scan3A_202 = %broadcast_in_dim3A_136, %scan3A_203 = %broadcast_in_dim3A_138, %scan3A_204 = %broadcast_in_dim3A_140, %scan3A_205 = %broadcast_in_dim3A_142, %scan3A_206 = %broadcast_in_dim3A_144) -> (vector<16xf32>, vector<16xf32>, vector<16xf32>, vector<16xf32>, vector<16xf32>, vector<16xf32>, vector<16xf32>, vector<16xf32>)  : i32 {
          %add3A_207 = arith.addi %mul3A_128, %scan3A_198 : i32
          %broadcast_in_dim3A_208 = vector.broadcast %add3A_207 : i32 to vector<16xi32>
          %gather3A_209 = tpu.vector_load_idx %arg17[%broadcast_in_dim3A_208] : memref<512xf32, #tpu.memory_space<vmem>>[vector<16xi32>], vector<16xf32>,
          %add3A_210 = arith.addi %mul3A_128, %scan3A_198 : i32
          %get3A = arith.index_cast %add3A_210 : i32 to index
          %get3A_211 = arith.constant 0 : index
          %get3A_212 = tpu.vector_load %arg19[%get3A, %get3A_211] {strides = array<i32>} : memref<512x128xf32, #tpu.memory_space<vmem>>, vector<16xf32>,
          %mul3A_213 = arith.mulf %gather3A_209, %get3A_212 : vector<16xf32>
          %add3A_214 = arith.addf %scan3A_199, %mul3A_213 : vector<16xf32>
          %add3A_215 = arith.addi %mul3A_128, %scan3A_198 : i32
          %get3A_216 = arith.index_cast %add3A_215 : i32 to index
          %get3A_217 = arith.constant 16 : index
          %get3A_218 = tpu.vector_load %arg19[%get3A_216, %get3A_217] {strides = array<i32>} : memref<512x128xf32, #tpu.memory_space<vmem>>, vector<16xf32>,
          %mul3A_219 = arith.mulf %gather3A_209, %get3A_218 : vector<16xf32>
          %add3A_220 = arith.addf %scan3A_200, %mul3A_219 : vector<16xf32>
          %add3A_221 = arith.addi %mul3A_128, %scan3A_198 : i32
          %get3A_222 = arith.index_cast %add3A_221 : i32 to index
          %get3A_223 = arith.constant 32 : index
          %get3A_224 = tpu.vector_load %arg19[%get3A_222, %get3A_223] {strides = array<i32>} : memref<512x128xf32, #tpu.memory_space<vmem>>, vector<16xf32>,
          %mul3A_225 = arith.mulf %gather3A_209, %get3A_224 : vector<16xf32>
          %add3A_226 = arith.addf %scan3A_201, %mul3A_225 : vector<16xf32>
          %add3A_227 = arith.addi %mul3A_128, %scan3A_198 : i32
          %get3A_228 = arith.index_cast %add3A_227 : i32 to index
          %get3A_229 = arith.constant 48 : index
          %get3A_230 = tpu.vector_load %arg19[%get3A_228, %get3A_229] {strides = array<i32>} : memref<512x128xf32, #tpu.memory_space<vmem>>, vector<16xf32>,
          %mul3A_231 = arith.mulf %gather3A_209, %get3A_230 : vector<16xf32>
          %add3A_232 = arith.addf %scan3A_202, %mul3A_231 : vector<16xf32>
          %add3A_233 = arith.addi %mul3A_128, %scan3A_198 : i32
          %get3A_234 = arith.index_cast %add3A_233 : i32 to index
          %get3A_235 = arith.constant 64 : index
          %get3A_236 = tpu.vector_load %arg19[%get3A_234, %get3A_235] {strides = array<i32>} : memref<512x128xf32, #tpu.memory_space<vmem>>, vector<16xf32>,
          %mul3A_237 = arith.mulf %gather3A_209, %get3A_236 : vector<16xf32>
          %add3A_238 = arith.addf %scan3A_203, %mul3A_237 : vector<16xf32>
          %add3A_239 = arith.addi %mul3A_128, %scan3A_198 : i32
          %get3A_240 = arith.index_cast %add3A_239 : i32 to index
          %get3A_241 = arith.constant 80 : index
          %get3A_242 = tpu.vector_load %arg19[%get3A_240, %get3A_241] {strides = array<i32>} : memref<512x128xf32, #tpu.memory_space<vmem>>, vector<16xf32>,
          %mul3A_243 = arith.mulf %gather3A_209, %get3A_242 : vector<16xf32>
          %add3A_244 = arith.addf %scan3A_204, %mul3A_243 : vector<16xf32>
          %add3A_245 = arith.addi %mul3A_128, %scan3A_198 : i32
          %get3A_246 = arith.index_cast %add3A_245 : i32 to index
          %get3A_247 = arith.constant 96 : index
          %get3A_248 = tpu.vector_load %arg19[%get3A_246, %get3A_247] {strides = array<i32>} : memref<512x128xf32, #tpu.memory_space<vmem>>, vector<16xf32>,
          %mul3A_249 = arith.mulf %gather3A_209, %get3A_248 : vector<16xf32>
          %add3A_250 = arith.addf %scan3A_205, %mul3A_249 : vector<16xf32>
          %add3A_251 = arith.addi %mul3A_128, %scan3A_198 : i32
          %get3A_252 = arith.index_cast %add3A_251 : i32 to index
          %get3A_253 = arith.constant 112 : index
          %get3A_254 = tpu.vector_load %arg19[%get3A_252, %get3A_253] {strides = array<i32>} : memref<512x128xf32, #tpu.memory_space<vmem>>, vector<16xf32>,
          %mul3A_255 = arith.mulf %gather3A_209, %get3A_254 : vector<16xf32>
          %add3A_256 = arith.addf %scan3A_206, %mul3A_255 : vector<16xf32>
          scf.yield %add3A_214, %add3A_220, %add3A_226, %add3A_232, %add3A_238, %add3A_244, %add3A_250, %add3A_256 : vector<16xf32>, vector<16xf32>, vector<16xf32>, vector<16xf32>, vector<16xf32>, vector<16xf32>, vector<16xf32>, vector<16xf32>
        }
        %scan3A_150 = arith.constant 32 : i32
        %mul3A_151 = arith.constant 128 : i32
        %mul3A_152 = arith.muli %scan3A_126, %mul3A_151 : i32
        %add3A_153 = arith.constant 0 : i32
        %add3A_154 = arith.addi %mul3A_152, %add3A_153 : i32
        %swap3A = arith.index_cast %add3A_154 : i32 to index
        %swap3A_155 = tpu.vector_load %arg20[%swap3A] {strides = array<i32>} : memref<2048xf32, #tpu.memory_space<vmem>>, vector<16xf32>,
        tpu.vector_store %arg20[%swap3A], %scan3A_149#0 {strides = array<i32>} : memref<2048xf32, #tpu.memory_space<vmem>>, vector<16xf32>,
        %mul3A_156 = arith.constant 128 : i32
        %mul3A_157 = arith.muli %scan3A_126, %mul3A_156 : i32
        %add3A_158 = arith.constant 16 : i32
        %add3A_159 = arith.addi %mul3A_157, %add3A_158 : i32
        %swap3A_160 = arith.index_cast %add3A_159 : i32 to index
        %swap3A_161 = tpu.vector_load %arg20[%swap3A_160] {strides = array<i32>} : memref<2048xf32, #tpu.memory_space<vmem>>, vector<16xf32>,
        tpu.vector_store %arg20[%swap3A_160], %scan3A_149#1 {strides = array<i32>} : memref<2048xf32, #tpu.memory_space<vmem>>, vector<16xf32>,
        %mul3A_162 = arith.constant 128 : i32
        %mul3A_163 = arith.muli %scan3A_126, %mul3A_162 : i32
        %add3A_164 = arith.constant 32 : i32
        %add3A_165 = arith.addi %mul3A_163, %add3A_164 : i32
        %swap3A_166 = arith.index_cast %add3A_165 : i32 to index
        %swap3A_167 = tpu.vector_load %arg20[%swap3A_166] {strides = array<i32>} : memref<2048xf32, #tpu.memory_space<vmem>>, vector<16xf32>,
        tpu.vector_store %arg20[%swap3A_166], %scan3A_149#2 {strides = array<i32>} : memref<2048xf32, #tpu.memory_space<vmem>>, vector<16xf32>,
        %mul3A_168 = arith.constant 128 : i32
        %mul3A_169 = arith.muli %scan3A_126, %mul3A_168 : i32
        %add3A_170 = arith.constant 48 : i32
        %add3A_171 = arith.addi %mul3A_169, %add3A_170 : i32
        %swap3A_172 = arith.index_cast %add3A_171 : i32 to index
        %swap3A_173 = tpu.vector_load %arg20[%swap3A_172] {strides = array<i32>} : memref<2048xf32, #tpu.memory_space<vmem>>, vector<16xf32>,
        tpu.vector_store %arg20[%swap3A_172], %scan3A_149#3 {strides = array<i32>} : memref<2048xf32, #tpu.memory_space<vmem>>, vector<16xf32>,
        %mul3A_174 = arith.constant 128 : i32
        %mul3A_175 = arith.muli %scan3A_126, %mul3A_174 : i32
        %add3A_176 = arith.constant 64 : i32
        %add3A_177 = arith.addi %mul3A_175, %add3A_176 : i32
        %swap3A_178 = arith.index_cast %add3A_177 : i32 to index
        %swap3A_179 = tpu.vector_load %arg20[%swap3A_178] {strides = array<i32>} : memref<2048xf32, #tpu.memory_space<vmem>>, vector<16xf32>,
        tpu.vector_store %arg20[%swap3A_178], %scan3A_149#4 {strides = array<i32>} : memref<2048xf32, #tpu.memory_space<vmem>>, vector<16xf32>,
        %mul3A_180 = arith.constant 128 : i32
        %mul3A_181 = arith.muli %scan3A_126, %mul3A_180 : i32
        %add3A_182 = arith.constant 80 : i32
        %add3A_183 = arith.addi %mul3A_181, %add3A_182 : i32
        %swap3A_184 = arith.index_cast %add3A_183 : i32 to index
        %swap3A_185 = tpu.vector_load %arg20[%swap3A_184] {strides = array<i32>} : memref<2048xf32, #tpu.memory_space<vmem>>, vector<16xf32>,
        tpu.vector_store %arg20[%swap3A_184], %scan3A_149#5 {strides = array<i32>} : memref<2048xf32, #tpu.memory_space<vmem>>, vector<16xf32>,
        %mul3A_186 = arith.constant 128 : i32
        %mul3A_187 = arith.muli %scan3A_126, %mul3A_186 : i32
        %add3A_188 = arith.constant 96 : i32
        %add3A_189 = arith.addi %mul3A_187, %add3A_188 : i32
        %swap3A_190 = arith.index_cast %add3A_189 : i32 to index
        %swap3A_191 = tpu.vector_load %arg20[%swap3A_190] {strides = array<i32>} : memref<2048xf32, #tpu.memory_space<vmem>>, vector<16xf32>,
        tpu.vector_store %arg20[%swap3A_190], %scan3A_149#6 {strides = array<i32>} : memref<2048xf32, #tpu.memory_space<vmem>>, vector<16xf32>,
        %mul3A_192 = arith.constant 128 : i32
        %mul3A_193 = arith.muli %scan3A_126, %mul3A_192 : i32
        %add3A_194 = arith.constant 112 : i32
        %add3A_195 = arith.addi %mul3A_193, %add3A_194 : i32
        %swap3A_196 = arith.index_cast %add3A_195 : i32 to index
        %swap3A_197 = tpu.vector_load %arg20[%swap3A_196] {strides = array<i32>} : memref<2048xf32, #tpu.memory_space<vmem>>, vector<16xf32>,
        tpu.vector_store %arg20[%swap3A_196], %scan3A_149#7 {strides = array<i32>} : memref<2048xf32, #tpu.memory_space<vmem>>, vector<16xf32>,
      }
      %scan3A_123 = arith.constant 16 : i32
      %mul3A_124 = arith.constant 128 : i32
      %mul3A_125 = arith.muli %mul3A_23, %mul3A_124 : i32
      "tpu.region"() ({
        %run_scoped3A_126 = tpu.sem_alloc : memref<!tpu.dma_semaphore, #tpu.memory_space<semaphore_mem>>
        %dma_start3A_127 = tpu.memref_slice %arg7[%mul3A_125] : memref<1280000xf32, #tpu.memory_space<hbm>> -> memref<2048xf32, #tpu.memory_space<hbm>>
        %dma_start3A_128 = tpu.memref_slice %arg7[%mul3A_125] : memref<1280000xf32, #tpu.memory_space<hbm>> -> memref<2048xf32, #tpu.memory_space<hbm>>
        tpu.enqueue_dma source(%arg20 : memref<2048xf32, #tpu.memory_space<vmem>>) target(%dma_start3A_128 : memref<2048xf32, #tpu.memory_space<hbm>>) target_semaphore(%run_scoped3A_126 : memref<!tpu.dma_semaphore, #tpu.memory_space<semaphore_mem>>)
        %dma_wait3A_129 = tpu.memref_slice %arg7[%mul3A_125] : memref<1280000xf32, #tpu.memory_space<hbm>> -> memref<2048xf32, #tpu.memory_space<hbm>>
        %dma_wait3A_130 = tpu.memref_slice %arg7[%mul3A_125] : memref<1280000xf32, #tpu.memory_space<hbm>> -> memref<2048xf32, #tpu.memory_space<hbm>>
        tpu.wait_dma2 semaphore(%run_scoped3A_126 : memref<!tpu.dma_semaphore, #tpu.memory_space<semaphore_mem>>) src(%arg20 : memref<2048xf32, #tpu.memory_space<vmem>>) dst(%dma_wait3A_130 : memref<2048xf32, #tpu.memory_space<hbm>>)
        tpu.yield
      }) : () -> ()
    }
    return
  }
}

module attributes {stable_mosaic.version = 14 : i64} {
  func.func @_dense_body(%arg0: i32, %arg1: memref<1000x128xf32, #tpu.memory_space<vmem>>, %arg2: memref<128x128xf32, #tpu.memory_space<vmem>>, %arg3: memref<8x128xf32, #tpu.memory_space<vmem>>, %arg4: memref<1000x128xf32, #tpu.memory_space<vmem>>, %arg5: memref<1x8x1000xf32, #tpu.memory_space<vmem>>) attributes {dimension_semantics = [#tpu.dimension_semantics<arbitrary>], iteration_bounds = array<i64: 10>, scalar_prefetch = 0 : i64, scratch_operands = 0 : i64, tpu.core_type = #tpu.core_type<tc>, window_params = [{transform_indices = @transform_0, window_bounds = array<i64: 1000, 128>}, {pipeline_mode = #tpu.pipeline_mode<synchronous>, transform_indices = @transform_1, window_bounds = array<i64: 128, 128>}, {pipeline_mode = #tpu.pipeline_mode<synchronous>, transform_indices = @transform_2, window_bounds = array<i64: 8, 128>}, {transform_indices = @transform_3, window_bounds = array<i64: 1000, 128>}, {transform_indices = @transform_4, window_bounds = array<i64: 1, 8, 1000>}]} {
    %get3A = arith.constant 0 : index
    %get3A_0 = arith.constant 0 : index
    %get3A_1 = vector.load %arg1[%get3A, %get3A_0] : memref<1000x128xf32, #tpu.memory_space<vmem>>, vector<1000x128xf32>
    %get3A_2 = arith.constant 0 : index
    %get3A_3 = arith.constant 0 : index
    %get3A_4 = vector.load %arg2[%get3A_2, %get3A_3] : memref<128x128xf32, #tpu.memory_space<vmem>>, vector<128x128xf32>
    %dot_general3A = arith.constant dense<0.000000e+00> : vector<1000x128xf32>
    %dot_general3A_5 = tpu.matmul %get3A_1, %get3A_4, %dot_general3A {dimension_numbers = #tpu.dot_dimension_numbers<[1], [0], [0], [1], [0, 0, 1, 1], [], []>, transpose_lhs_hint = false} : vector<1000x128xf32>, vector<128x128xf32>, vector<1000x128xf32> -> vector<1000x128xf32>
    %swap3A = arith.constant 0 : index
    %swap3A_6 = arith.constant 0 : index
    %swap3A_7 = vector.load %arg4[%swap3A, %swap3A_6] : memref<1000x128xf32, #tpu.memory_space<vmem>>, vector<1000x128xf32>
    tpu.vector_store %arg4[%swap3A, %swap3A_6], %dot_general3A_5 {strides = array<i32>} : memref<1000x128xf32, #tpu.memory_space<vmem>>, vector<1000x128xf32>,
    %get3A_8 = arith.constant 0 : index
    %get3A_9 = arith.constant 0 : index
    %get3A_10 = vector.load %arg3[%get3A_8, %get3A_9] : memref<8x128xf32, #tpu.memory_space<vmem>>, vector<8x128xf32>
    %dot_general3A_11 = arith.constant dense<0.000000e+00> : vector<8x1000xf32>
    %dot_general3A_12 = tpu.matmul %get3A_10, %dot_general3A_5, %dot_general3A_11 {dimension_numbers = #tpu.dot_dimension_numbers<[1], [1], [0], [0], [0, 0, 1, 0], [], []>, transpose_lhs_hint = false} : vector<8x128xf32>, vector<1000x128xf32>, vector<8x1000xf32> -> vector<8x1000xf32>
    %swap3A_13 = arith.constant 0 : index
    %swap3A_14 = arith.constant 0 : index
    %swap3A_15 = arith.constant 0 : index
    %swap3A_16 = vector.load %arg5[%swap3A_13, %swap3A_14, %swap3A_15] : memref<1x8x1000xf32, #tpu.memory_space<vmem>>, vector<1x8x1000xf32>
    %swap3A_17 = vector.shape_cast %swap3A_16 : vector<1x8x1000xf32> to vector<8x1000xf32>
    %swap3A_18 = vector.shape_cast %dot_general3A_12 : vector<8x1000xf32> to vector<1x8x1000xf32>
    tpu.vector_store %arg5[%swap3A_13, %swap3A_14, %swap3A_15], %swap3A_18 {strides = array<i32>} : memref<1x8x1000xf32, #tpu.memory_space<vmem>>, vector<1x8x1000xf32>,
    return
  }
  func.func @transform_0(%arg0: i32) -> (i32, i32) {
    %c0_i32 = arith.constant 0 : i32
    %c0_i32_0 = arith.constant 0 : i32
    return %arg0, %c0_i32 : i32, i32
  }
  func.func @transform_1(%arg0: i32) -> (i32, i32) {
    %c0_i32 = arith.constant 0 : i32
    %c0_i32_0 = arith.constant 0 : i32
    %c0_i32_1 = arith.constant 0 : i32
    return %c0_i32, %c0_i32_0 : i32, i32
  }
  func.func @transform_2(%arg0: i32) -> (i32, i32) {
    %c0_i32 = arith.constant 0 : i32
    %c0_i32_0 = arith.constant 0 : i32
    %c0_i32_1 = arith.constant 0 : i32
    return %c0_i32, %c0_i32_0 : i32, i32
  }
  func.func @transform_3(%arg0: i32) -> (i32, i32) {
    %c0_i32 = arith.constant 0 : i32
    %c0_i32_0 = arith.constant 0 : i32
    return %arg0, %c0_i32 : i32, i32
  }
  func.func @transform_4(%arg0: i32) -> (i32, i32, i32) {
    %c0_i32 = arith.constant 0 : i32
    %c0_i32_0 = arith.constant 0 : i32
    %c0_i32_1 = arith.constant 0 : i32
    return %arg0, %c0_i32, %c0_i32_0 : i32, i32, i32
  }
}

module attributes {stable_mosaic.version = 14 : i64} {
  func.func @_bn_body(%arg0: memref<10000x32xf32, #tpu.memory_space<vmem>>, %arg1: memref<10000x128xf32, #tpu.memory_space<vmem>>, %arg2: memref<1x1xf32, #tpu.memory_space<vmem>>, %arg3: memref<1x1xf32, #tpu.memory_space<vmem>>, %arg4: memref<1x1xf32, #tpu.memory_space<vmem>>, %arg5: memref<1x1xf32, #tpu.memory_space<vmem>>, %arg6: memref<10000x159xf32, #tpu.memory_space<vmem>>) attributes {dimension_semantics = [], scalar_prefetch = 0 : i64, scratch_operands = 0 : i64, tpu.core_type = #tpu.core_type<tc>} {
    %get3A = arith.constant 0 : index
    %get3A_0 = arith.constant 0 : index
    %get3A_1 = vector.load %arg0[%get3A, %get3A_0] : memref<10000x32xf32, #tpu.memory_space<vmem>>, vector<10000x32xf32>
    %slice3A = vector.extract_strided_slice %get3A_1 {offsets = [0, 0], sizes = [10000, 31], strides = [1, 1]} : vector<10000x32xf32> to vector<10000x31xf32>
    %reduce_sum3A = vector.shape_cast %slice3A : vector<10000x31xf32> to vector<1x10000x31xf32>
    %reduce_sum3A_2 = arith.constant dense<0.000000e+00> : vector<1xf32>
    %reduce_sum3A_3 = vector.multi_reduction <add>, %reduce_sum3A, %reduce_sum3A_2 [1, 2] : vector<1x10000x31xf32> to vector<1xf32>
    %reduce_sum3A_4 = vector.shape_cast %reduce_sum3A_3 : vector<1xf32> to vector<1x1x1xf32>
    %reduce_sum3A_5 = vector.extract %reduce_sum3A_4[0, 0, 0] : f32 from vector<1x1x1xf32>
    %div3A = arith.constant 3.100000e+05 : f32
    %div3A_6 = arith.divf %reduce_sum3A_5, %div3A : f32
    %sub3A = vector.broadcast %div3A_6 : f32 to vector<10000x31xf32>
    %sub3A_7 = arith.subf %slice3A, %sub3A : vector<10000x31xf32>
    %sub3A_8 = vector.broadcast %div3A_6 : f32 to vector<10000x31xf32>
    %sub3A_9 = arith.subf %slice3A, %sub3A_8 : vector<10000x31xf32>
    %mul3A = arith.mulf %sub3A_7, %sub3A_9 : vector<10000x31xf32>
    %reduce_sum3A_10 = vector.shape_cast %mul3A : vector<10000x31xf32> to vector<1x10000x31xf32>
    %reduce_sum3A_11 = arith.constant dense<0.000000e+00> : vector<1xf32>
    %reduce_sum3A_12 = vector.multi_reduction <add>, %reduce_sum3A_10, %reduce_sum3A_11 [1, 2] : vector<1x10000x31xf32> to vector<1xf32>
    %reduce_sum3A_13 = vector.shape_cast %reduce_sum3A_12 : vector<1xf32> to vector<1x1x1xf32>
    %reduce_sum3A_14 = vector.extract %reduce_sum3A_13[0, 0, 0] : f32 from vector<1x1x1xf32>
    %div3A_15 = arith.constant 3.100000e+05 : f32
    %div3A_16 = arith.divf %reduce_sum3A_14, %div3A_15 : f32
    %sub3A_17 = vector.broadcast %div3A_6 : f32 to vector<10000x31xf32>
    %sub3A_18 = arith.subf %slice3A, %sub3A_17 : vector<10000x31xf32>
    %add3A = arith.constant 9.99999974E-6 : f32
    %add3A_19 = arith.addf %div3A_16, %add3A : f32
    %rsqrt3A = math.rsqrt %add3A_19 : f32
    %mul3A_20 = vector.broadcast %rsqrt3A : f32 to vector<10000x31xf32>
    %mul3A_21 = arith.mulf %sub3A_18, %mul3A_20 : vector<10000x31xf32>
    %get3A_22 = arith.constant 0 : index
    %get3A_23 = arith.constant 0 : index
    %get3A_24 = vector.load %arg2[%get3A_22, %get3A_23] : memref<1x1xf32, #tpu.memory_space<vmem>>, vector<1x1xf32>
    %get3A_25 = vector.extract %get3A_24[0, 0] : f32 from vector<1x1xf32>
    %mul3A_26 = vector.broadcast %get3A_25 : f32 to vector<10000x31xf32>
    %mul3A_27 = arith.mulf %mul3A_21, %mul3A_26 : vector<10000x31xf32>
    %get3A_28 = arith.constant 0 : index
    %get3A_29 = arith.constant 0 : index
    %get3A_30 = vector.load %arg3[%get3A_28, %get3A_29] : memref<1x1xf32, #tpu.memory_space<vmem>>, vector<1x1xf32>
    %get3A_31 = vector.extract %get3A_30[0, 0] : f32 from vector<1x1xf32>
    %add3A_32 = vector.broadcast %get3A_31 : f32 to vector<10000x31xf32>
    %add3A_33 = arith.addf %mul3A_27, %add3A_32 : vector<10000x31xf32>
    %get3A_34 = arith.constant 0 : index
    %get3A_35 = arith.constant 0 : index
    %get3A_36 = vector.load %arg1[%get3A_34, %get3A_35] : memref<10000x128xf32, #tpu.memory_space<vmem>>, vector<10000x128xf32>
    %reduce_sum3A_37 = vector.shape_cast %get3A_36 : vector<10000x128xf32> to vector<1x10000x128xf32>
    %reduce_sum3A_38 = arith.constant dense<0.000000e+00> : vector<1xf32>
    %reduce_sum3A_39 = vector.multi_reduction <add>, %reduce_sum3A_37, %reduce_sum3A_38 [1, 2] : vector<1x10000x128xf32> to vector<1xf32>
    %reduce_sum3A_40 = vector.shape_cast %reduce_sum3A_39 : vector<1xf32> to vector<1x1x1xf32>
    %reduce_sum3A_41 = vector.extract %reduce_sum3A_40[0, 0, 0] : f32 from vector<1x1x1xf32>
    %div3A_42 = arith.constant 1.280000e+06 : f32
    %div3A_43 = arith.divf %reduce_sum3A_41, %div3A_42 : f32
    %sub3A_44 = vector.broadcast %div3A_43 : f32 to vector<10000x128xf32>
    %sub3A_45 = arith.subf %get3A_36, %sub3A_44 : vector<10000x128xf32>
    %sub3A_46 = vector.broadcast %div3A_43 : f32 to vector<10000x128xf32>
    %sub3A_47 = arith.subf %get3A_36, %sub3A_46 : vector<10000x128xf32>
    %mul3A_48 = arith.mulf %sub3A_45, %sub3A_47 : vector<10000x128xf32>
    %reduce_sum3A_49 = vector.shape_cast %mul3A_48 : vector<10000x128xf32> to vector<1x10000x128xf32>
    %reduce_sum3A_50 = arith.constant dense<0.000000e+00> : vector<1xf32>
    %reduce_sum3A_51 = vector.multi_reduction <add>, %reduce_sum3A_49, %reduce_sum3A_50 [1, 2] : vector<1x10000x128xf32> to vector<1xf32>
    %reduce_sum3A_52 = vector.shape_cast %reduce_sum3A_51 : vector<1xf32> to vector<1x1x1xf32>
    %reduce_sum3A_53 = vector.extract %reduce_sum3A_52[0, 0, 0] : f32 from vector<1x1x1xf32>
    %div3A_54 = arith.constant 1.280000e+06 : f32
    %div3A_55 = arith.divf %reduce_sum3A_53, %div3A_54 : f32
    %sub3A_56 = vector.broadcast %div3A_43 : f32 to vector<10000x128xf32>
    %sub3A_57 = arith.subf %get3A_36, %sub3A_56 : vector<10000x128xf32>
    %add3A_58 = arith.constant 9.99999974E-6 : f32
    %add3A_59 = arith.addf %div3A_55, %add3A_58 : f32
    %rsqrt3A_60 = math.rsqrt %add3A_59 : f32
    %mul3A_61 = vector.broadcast %rsqrt3A_60 : f32 to vector<10000x128xf32>
    %mul3A_62 = arith.mulf %sub3A_57, %mul3A_61 : vector<10000x128xf32>
    %get3A_63 = arith.constant 0 : index
    %get3A_64 = arith.constant 0 : index
    %get3A_65 = vector.load %arg4[%get3A_63, %get3A_64] : memref<1x1xf32, #tpu.memory_space<vmem>>, vector<1x1xf32>
    %get3A_66 = vector.extract %get3A_65[0, 0] : f32 from vector<1x1xf32>
    %mul3A_67 = vector.broadcast %get3A_66 : f32 to vector<10000x128xf32>
    %mul3A_68 = arith.mulf %mul3A_62, %mul3A_67 : vector<10000x128xf32>
    %get3A_69 = arith.constant 0 : index
    %get3A_70 = arith.constant 0 : index
    %get3A_71 = vector.load %arg5[%get3A_69, %get3A_70] : memref<1x1xf32, #tpu.memory_space<vmem>>, vector<1x1xf32>
    %get3A_72 = vector.extract %get3A_71[0, 0] : f32 from vector<1x1xf32>
    %add3A_73 = vector.broadcast %get3A_72 : f32 to vector<10000x128xf32>
    %add3A_74 = arith.addf %mul3A_68, %add3A_73 : vector<10000x128xf32>
    %max3A = arith.constant 0.000000e+00 : f32
    %max3A_75 = vector.broadcast %max3A : f32 to vector<10000x31xf32>
    %max3A_76 = arith.maximumf %add3A_33, %max3A_75 : vector<10000x31xf32>
    %max3A_77 = arith.constant 0.000000e+00 : f32
    %max3A_78 = vector.broadcast %max3A_77 : f32 to vector<10000x128xf32>
    %max3A_79 = arith.maximumf %add3A_74, %max3A_78 : vector<10000x128xf32>
    %concatenate3A = tpu.concatenate %max3A_76, %max3A_79 in 1 : vector<10000x31xf32>, vector<10000x128xf32> -> vector<10000x159xf32>
    %swap3A = arith.constant 0 : index
    %swap3A_80 = arith.constant 0 : index
    %swap3A_81 = vector.load %arg6[%swap3A, %swap3A_80] : memref<10000x159xf32, #tpu.memory_space<vmem>>, vector<10000x159xf32>
    tpu.vector_store %arg6[%swap3A, %swap3A_80], %concatenate3A {strides = array<i32>} : memref<10000x159xf32, #tpu.memory_space<vmem>>, vector<10000x159xf32>,
    return
  }
}

</mosaic_0001>

<sc_bundles>
// kernel: kernel.5.cloned.1.call-start
scs
__scs_entry_jumppad:
0x0: {  	(pc) =	sbr.rel $0x88, $3  }
0x1: {  	(tag) =	ssettag $0x0;
	lr =	simm.s32 $0x1  }
0x2: {  	[smem:$0x3F97] =	sst lr;
	_ =	strace $0xD0000000  }
0x3: {  	_ = 	snop  }
0x4: {  	_ = 	snop  }
0x5: {  	_ = 	snop  }
0x6: {  	_ = 	snop  }
0x7: {  	_ = 	snop  }
__scs_overlays_trampoline_lowered:
0x8: {  	[smem:$0x3FA6] =	sst s0  }
0x9: {  	[smem:$0x3FA7] =	sst s1  }
0xa: {  	[smem:$0x3FA8] =	sst s2  }
0xb: {  	[smem:$0x3FA9] =	sst s3  }
0xc: {  	[smem:$0x3FAA] =	sst s4  }
0xd: {  	[smem:$0x3FAB] =	sst s5  }
0xe: {  	[smem:$0x3FAC] =	sst s6  }
0xf: {  	[smem:$0x3FAD] =	sst s7  }
0x10: {  	[smem:$0x3FAE] =	sst s8  }
0x11: {  	[smem:$0x3FAF] =	sst s9;
	s0 =	simm.s32 @!p0 $0x0  }
0x12: {  	s1 =	sld [smem:$0x3F95];
	s0 =	simm.s32 @p0 $0x1  }
0x13: {  	[smem:$0x3FB0] =	sst s0;
	s0 =	simm.s32 @!p1 $0x0  }
0x14: {  	s2 =	sld [smem:$0x3F94];
	s0 =	simm.s32 @p1 $0x1  }
0x15: {  	[smem:$0x3FB1] =	sst s0;
	s0 =	simm.s32 @!p2 $0x0  }
0x16: {  	s3 =	sld [smem:$0x3FDB];
	s0 =	simm.s32 @p2 $0x1  }
0x17: {  	s4 =	simm.s32 $0x1BF5;
	[smem:$0x3FB3] =	sst s0  }
0x18: {  	s0 =	sld [smem:$0x3F96];
	_ =	swait.ge [sflag:s4], $0x0  }
0x19: {  	s7 =	sld [smem:$0x3F97]  }
0x1a: {  	s8 =	sadd.s32 $0xFFFFE003, lr  }
0x1b: {  	s9 =	sadd.s32 $0xFFFFFEF7, lr;
	s5 =	simm.s32 $0xFFFFFFFF;
	p2 =	slt.u32 s8, $0xFFFFF086  }
0x1c: {  	p1 =	slt.u32 s9, $0xF7A;
	s5 =	simm.s32 @!p2 $0x0  }
0x1d: {  	s5 =	simm.s32 @p1 $0x1;
	p0 =	seq.s32 s7, s2  }
0x1e: {  	s7 =	smul.u32 @!p0 $0xF7A, s2;
	p2 =	seq.s32 @!p0 s5, $0x0  }
0x1f: {  	s9 =	smul.u32 $0xF7A, s1;
	s8 =	simm.s32 @!p0 $0x1BF5;
	p2 =	por !p2, p0  }
0x20: {  	[sflag:s8] =	ssyncset.s32 @!p0 $0xFFFFF086;
	s6 =	sadd.s32 @!p0 s3, s7;
	s7 =	simm.s32 @!p0 $0x108  }
0x21: {  	s3 =	sadd.s32 s3, s9;
	s6 =	sadd.s32 @!p0 $0x88, s6;
	s7 =	simm.s32 @p2 $0x1082  }
0x22: {  	[simem:s7], [sflag:s8] =	dma.local @!p0 [hbm:s6], $0xF7A  }
0x23: {  	s9 =	sor.u32 $0xD0000000, s2;
	s6 =	simm.s32 $0x108;
	_ =	swait.ge @!p0 [sflag:s8], $0x0  }
0x24: {  	s3 =	sadd.s32 $0x88, s3;
	s6 =	simm.s32 @!p1 $0x1082;
	[sflag:s4] =	ssyncset.s32 $0xFFFFF086  }
0x25: {  	[simem:s6], [sflag:s4] =	dma.local [hbm:s3], $0xF7A  }
0x26: {  	[smem:$0x3F97] =	sst s1;
	(tag) =	ssettag s2;
	_ =	strace s9  }
0x27: {  	s1 =	sld [smem:$0x3FA7]  }
0x28: {  	s2 =	sld [smem:$0x3FA8]  }
0x29: {  	s4 =	sld [smem:$0x3FAA]  }
0x2a: {  	p0 =	seq.s32 s5, $0x0;
	s5 =	sld [smem:$0x3FAB]  }
0x2b: {  	s6 =	sld [smem:$0x3FAC]  }
0x2c: {  	s7 =	sld [smem:$0x3FAD]  }
0x2d: {  	s3 =	simm.s32 $0x108;
	s8 =	sld [smem:$0x3FAE]  }
0x2e: {  	s3 =	simm.s32 @!p0 $0x1082;
	s9 =	sld [smem:$0x3FAF]  }
0x2f: {  	lr =	sadd.s32 s0, s3;
	s0 =	sld [smem:$0x3FA6]  }
0x30: {  	s3 =	sld [smem:$0x3FA9]  }
0x31: {  	[smem:$0x3FB2] =	sst s10  }
0x32: {  	s10 =	sld [smem:$0x3FB0];
	_ =	sdelay $0x3  }
0x33: {  	p0 =	seq.s32 s10, $0x1;
	s10 =	sld [smem:$0x3FB2];
	_ =	sdelay $0x3  }
0x34: {  	[smem:$0x3FB2] =	sst s10  }
0x35: {  	s10 =	sld [smem:$0x3FB1];
	_ =	sdelay $0x3  }
0x36: {  	p1 =	seq.s32 s10, $0x1;
	s10 =	sld [smem:$0x3FB2];
	_ =	sdelay $0x3  }
0x37: {  	[smem:$0x3FB2] =	sst s10  }
0x38: {  	s10 =	sld [smem:$0x3FB3]  }
0x39: {  	_ = 	snop;
	(pc) =	sbr.ind lr, $3  }
0x3a: {  	_ = 	snop  }
0x3b: {  	_ = 	snop  }
0x3c: {  	p2 =	seq.s32 s10, $0x1;
	s10 =	sld [smem:$0x3FB2]  }
0x3d: {  	_ =	shalt  }
0x3e: {  	_ =	shalt  }
0x3f: {  	_ =	shalt  }
0x40: {  	_ =	shalt  }
0x41: {  	_ =	shalt  }
0x42: {  	_ =	shalt  }
0x43: {  	_ =	shalt  }
0x44: {  	_ =	shalt  }
0x45: {  	_ =	shalt  }
0x46: {  	_ =	shalt  }
0x47: {  	_ =	shalt  }
0x48: {  	_ =	shalt  }
0x49: {  	_ =	shalt  }
0x4a: {  	_ =	shalt  }
0x4b: {  	_ =	shalt  }
0x4c: {  	_ =	shalt  }
0x4d: {  	_ =	shalt  }
0x4e: {  	_ =	shalt  }
0x4f: {  	_ =	shalt  }
0x50: {  	_ =	shalt  }
0x51: {  	_ =	shalt  }
0x52: {  	_ =	shalt  }
0x53: {  	_ =	shalt  }
0x54: {  	_ =	shalt  }
0x55: {  	_ =	shalt  }
0x56: {  	_ =	shalt  }
0x57: {  	_ =	shalt  }
0x58: {  	_ =	shalt  }
0x59: {  	_ =	shalt  }
0x5a: {  	_ =	shalt  }
0x5b: {  	_ =	shalt  }
0x5c: {  	_ =	shalt  }
0x5d: {  	_ =	shalt  }
0x5e: {  	_ =	shalt  }
0x5f: {  	_ =	shalt  }
0x60: {  	_ =	shalt  }
0x61: {  	_ =	shalt  }
0x62: {  	_ =	shalt  }
0x63: {  	_ =	shalt  }
0x64: {  	_ =	shalt  }
0x65: {  	_ =	shalt  }
0x66: {  	_ =	shalt  }
0x67: {  	_ =	shalt  }
0x68: {  	_ =	shalt  }
0x69: {  	_ =	shalt  }
0x6a: {  	_ =	shalt  }
0x6b: {  	_ =	shalt  }
0x6c: {  	_ =	shalt  }
0x6d: {  	_ =	shalt  }
0x6e: {  	_ =	shalt  }
0x6f: {  	_ =	shalt  }
0x70: {  	_ =	shalt  }
0x71: {  	_ =	shalt  }
0x72: {  	_ =	shalt  }
0x73: {  	_ =	shalt  }
0x74: {  	_ =	shalt  }
0x75: {  	_ =	shalt  }
0x76: {  	_ =	shalt  }
0x77: {  	_ =	shalt  }
0x78: {  	_ =	shalt  }
0x79: {  	_ =	shalt  }
0x7a: {  	_ =	shalt  }
0x7b: {  	_ =	shalt  }
0x7c: {  	_ =	shalt  }
0x7d: {  	_ =	shalt  }
0x7e: {  	_ =	shalt  }
0x7f: {  	_ =	shalt  }
0x80: {  	_ =	shalt  }
0x81: {  	_ =	shalt  }
0x82: {  	_ =	shalt  }
0x83: {  	_ =	shalt  }
0x84: {  	_ =	shalt  }
0x85: {  	_ =	shalt  }
0x86: {  	_ =	shalt  }
0x87: {  	_ =	shalt  }
.Lfunc_end0:
.L_simem_size_0:
called_computation_lowered:
.L_overlay_start_0:
0x88: {  	s2 =	sld [smem:$0x3FD9]  }
0x89: {  	s3 =	sld [smem:$0x3FFE];
	_ =	sdelay $0x1  }
0x8a: {  	s1 =	srdreg.scid  }
0x8b: {  	s0 =	sand.u32 $0x1, s1  }
0x8c: {  	s17 =	sshll.u32 s0, $0xA;
	s2 =	sadd.s32 s3, s2  }
0x8d: {  	s2 =	sadd.s32 s2, s17  }
0x8e: {  	[smem:$0x3FBE] =	sst s2  }
0x8f: {  	_ = 	snop  }
0x90: {  	s2 =	sld [smem:$0x3FC2]  }
0x91: {  	s18 =	sld [smem:$0x3FD0];
	(tm) =	ssettm $0x1  }
0x92: {  	s4 =	sld [smem:$0x3FFB];
	_ =	sdelay $0x3  }
0x93: {  	_ =	strace s4  }
0x94: {  	s4 =	sld [smem:$0x3FFC];
	_ =	sdelay $0x3  }
0x95: {  	_ =	strace s4  }
0x96: {  	s4 =	sld [smem:$0x3FFD];
	_ =	sdelay $0x3  }
0x97: {  	_ =	strace s4  }
0x98: {  	_ =	strace $0x8FFFFFFF  }
0x99: {  	s19 =	sld [smem:$0x3FDB];
	_ =	sdelay $0x1  }
0x9a: {  	s5 =	simm.s32 $_scs_section_size  }
0x9b: {  	s6 =	simm.s32 $_size__tile_overlayer_lowered;
	s7 =	simm.s32 $_tile_overlayer_lowered  }
0x9c: {  	s22 =	simm.s32 $0x1BFF;
	s21 =	sshll.u32 s7, $0x1;
	s4 =	sadd.s32 s5, s19  }
0x9d: {  	s8 =	simm.s32 $0x0;
	s20 =	sshll.u32 s6, $0x1;
	s6 =	sadd.s32 s21, s4  }
0x9e: {  	[timem:s8], [sflag:s22] =	dma.local [hbm:s6], s20  }
0x9f: {  	_ =	swait.ge [sflag:s22], s20  }
0xa0: {  	s5 =	ssub.s32 $0x0, s20;
	[sflag:s22] =	ssyncset.done $0x0  }
0xa1: {  	[sflag:s22] =	ssyncadd.s32 s5;
	_ =	sdelay $0x1  }
0xa2: {  	s23 =	simm.s32 $0x1B8B  }
0xa3: {  	_ =	swait.ge [sflag:s23], $0x1  }
0xa4: {  	[sflag:s23] =	ssyncset.done $0x0  }
0xa5: {  	s25 =	simm.s32 $0x1B8E;
	s24 =	sld [smem:$0x3FFE];
	[sflag:s23] =	ssyncadd.s32 $0xFFFFFFFF  }
0xa6: {  	s26 =	simm.s32 $execute0_lowered;
	[smem:$0x3FD2] =	sst s25  }
0xa7: {  	s6 =	sshll.u32 s26, $0x1;
	_ =	strace $0x80000046;
	[dreg:$0x1] =	wrdreg $0xFFFFFFFF  }
0xa8: {  	s28 =	simm.s32 $_size_execute0_lowered;
	s4 =	sadd.s32 s4, s6;
	[dreg:$0x0] =	wrdreg $0x0  }
0xa9: {  	s6 =	sshll.u32 s28, $0x1;
	[dreg:$0x2] =	wrdreg s4  }
0xaa: {  	[dreg:$0x3] =	wrdreg s6  }
0xab: {  	[dreg:$0x4] =	wrdreg $0xC0  }
0xac: {  	_ =	task [dreg:s8], $0x5FFFF  }
0xad: {  	[dreg:$0x1] =	wrdreg $0xFFFFFFFF  }
0xae: {  	[dreg:$0x0] =	wrdreg $0x60  }
0xaf: {  	[dreg:$0x2] =	wrdreg s24  }
0xb0: {  	[dreg:$0x3] =	wrdreg s18  }
0xb1: {  	[dreg:$0x4] =	wrdreg s2  }
0xb2: {  	[dreg:$0x5] =	wrdreg $0x9  }
0xb3: {  	_ =	task.clear_ibuf [dreg:s8], $0x6FFFF;
	_ =	strace $0x90000046  }
0xb4: {  	s29 =	simm.s32 $0x9;
	_ =	strace $0x80000048  }
0xb5: {  	_ =	swait.ge [sflag:s29], $0x1  }
0xb6: {  	[sflag:s29] =	ssyncadd.s32 $0xFFFFFFFF  }
0xb7: {  	_ =	strace $0x90000048  }
0xb8: {  	_ =	sfence  }
0xb9: {  	s30 =	sld [smem:$0x0];
	_ =	sdelay $0x2  }
0xba: {  	s31 =	sshll.u32 s1, $0xD;
	s1 =	sshrl.u32 s1, $0x2  }
0xbb: {  	s3 =	sand.u32 $0x4000, s31;
	s1 =	sadd.s32 s1, s30  }
0xbc: {  	s0 =	sor.u32 s3, s0;
	s1 =	sshll.u32 s1, $0x11  }
0xbd: {  	s0 =	sor.u32 s1, s0  }
0xbe: {  	s0 =	sadd.s32 $0x8F2B, s0  }
0xbf: {  	[sflag:s0] =	ssyncadd.remote.s32 $0x1  }
0xc0: {  	_ =	sfence.sel $0xFFFF  }
0xc1: {  	[dreg:$0x0] =	wrdreg $0xFFFFFFFF;
	(pc) =	sbr.abs _section_cstart, $3  }
0xc2: {  	[dreg:$0x1] =	wrdreg $0xFFFFFFFF  }
0xc3: {  	_ =	task.clear_ibuf [dreg:s8], $0x2FFFF;
	_ =	strace $0x9FFFFFFF  }
0xc4: {  	(tm) =	ssettm $0x7FFFFFFF  }
0xc5: {  	_ =	shalt  }
tec
execute0_lowered:
.L_overlay_start_1:
0x0: {  	(tag) =	ssettag $0x1  }
0x1: {  	s0 =	rddreg [dreg:$0x0]  }
0x2: {  	s1 =	rddreg [dreg:$0x1]  }
0x3: {  	s2 =	simm.s32 $0x0;
	s22 =	srdreg.scid;
	s6 =	stileid.u32  }
0x4: {  	s11 =	simm.s32 $0x14;
	s15 =	simm.s32 $0x80;
	s17 =	simm.s32 $0x2  }
0x5: {  	s18 =	simm.s32 $0x2780;
	s19 =	simm.s32 $0x4F00;
	s20 =	simm.s32 $0x7680  }
0x6: {  	s21 =	simm.s32 $0x9E00;
	s28 =	simm.s32 $0x12A80;
	s29 =	simm.s32 $0xA000  }
0x7: {  	s30 =	simm.s32 $0x16A80;
	s31 =	simm.s32 $0xA680;
	[smem:$0x7FF] =	sst s2  }
0x8: {  	s5 =	sadd.s32 $0xC00, s0;
	s2 =	sand.u32 $0x1, s22;
	s3 =	sadd.s32 $0xAA00, s0  }
0x9: {  	s7 =	sadd.s32 $0xD200, s0;
	s6 =	sshll.u32 s6, $0x1;
	s8 =	sadd.s32 $0x17000, s0  }
0xa: {  	s24 =	sadd.s32 $0xAA10, s0;
	_ =	strace $0x80000047;
	[dreg:$0x4] =	wrdreg s3  }
0xb: {  	s25 =	sadd.s32 $0xAA20, s0;
	s0 =	sadd.s32 $0xAA30, s0;
	[dreg:$0x5] =	wrdreg s24  }
0xc: {  	s22 =	simm.s32 $0x9E80;
	s23 =	ssub.s32 $0x2, s2;
	[dreg:$0x6] =	wrdreg s25  }
0xd: {  	s9 =	sor.u32 s2, s6;
	[dreg:$0x7] =	wrdreg s0;
	s25 =	simm.s32 $0xEA80  }
0xe: {  	s0 =	simm.s32 $0xA880;
	s2 =	simm.s32 $0x1AA80;
	s4 =	sshrl.u32 s23, $0x1  }
0xf: {  	v0 =	vlaneseq.u32;
	s6 =	simm.s32 $0x0;
	p0 =	slt.u32 s9, $0x11;
	s3 =	ssub.s32 s23, s4  }
0x10: {  	v1 =	vmul.u32 $0x20, v0;
	s24 =	simm.s32 $0x0;
	s11 =	simm.s32 @!p0 $0x13;
	s26 =	smax.u32 s3, $0x1  }
0x11: {  	s4 =	simm.s32 $0x1;
	[dreg:$0x8] =	wrdreg s26;
	s26 =	simm.s32 $0x9F80  }
.LBB2_1:
0x12: {  	[dreg:$0x9] =	wrdreg s6  }
0x13: {  	s12 =	simm.s32 $0x0;
	s3 =	rddreg [dreg:$0x4];
	s10 =	simm.s32 $0x400  }
0x14: {  	[tilespmem:s12], [sflag:$0x2] =	stream.strided.gather [hbm4b:s3+s15], $0x2780, s10, s15, $0x38;
	[tilespmem:$0x1B280] =	vst v63  }
0x15: {  	_ =	swait.ge [sflag:s17], $0x2780  }
0x16: {  	[sflag:s17] =	ssyncset.done $0x0  }
0x17: {  	s13 =	rddreg [dreg:$0x5];
	[sflag:s17] =	ssyncadd.s32 $0xFFFFD880  }
0x18: {  	[tilespmem:s18], [sflag:$0x2] =	stream.strided.gather [hbm4b:s13+s15], $0x2780, s10, s15, $0x38;
	[tilespmem:$0x1B280] =	vst v63  }
0x19: {  	_ =	swait.ge [sflag:s17], $0x2780  }
0x1a: {  	[sflag:s17] =	ssyncset.done $0x0  }
0x1b: {  	s14 =	rddreg [dreg:$0x6];
	[sflag:s17] =	ssyncadd.s32 $0xFFFFD880  }
0x1c: {  	[tilespmem:s19], [sflag:$0x2] =	stream.strided.gather [hbm4b:s14+s15], $0x2780, s10, s15, $0x38;
	[tilespmem:$0x1B280] =	vst v63  }
0x1d: {  	_ =	swait.ge [sflag:s17], $0x2780  }
0x1e: {  	[sflag:s17] =	ssyncset.done $0x0  }
0x1f: {  	s16 =	rddreg [dreg:$0x7];
	[sflag:s17] =	ssyncadd.s32 $0xFFFFD880  }
0x20: {  	[tilespmem:s20], [sflag:$0x2] =	stream.strided.gather [hbm4b:s16+s15], $0x2780, s10, s15, $0x38;
	[tilespmem:$0x1B280] =	vst v63  }
0x21: {  	_ =	swait.ge [sflag:s17], $0x2780  }
0x22: {  	[sflag:s17] =	ssyncset.done $0x0  }
0x23: {  	[sflag:s17] =	ssyncadd.s32 $0xFFFFD880  }
0x24: {  	s23 =	rddreg [dreg:$0x2]  }
0x25: {  	[tilespmem:s21], [sflag:$0x2] =	stream.linear.gather [hbm4b:s23+s12], $0x80, $0x38;
	[tilespmem:$0x1B280] =	vst v63  }
0x26: {  	_ =	swait.ge [sflag:s17], $0x80  }
0x27: {  	[sflag:s17] =	ssyncset.done $0x0  }
0x28: {  	s10 =	simm.s32 $0x0;
	[sflag:s17] =	ssyncadd.s32 $0xFFFFFF80  }
.LBB2_2:
0x29: {  	s3 =	sshll.u32 s10, $0x5  }
0x2a: {  	s12 =	sor.u32 s9, s3  }
0x2b: {  	s13 =	sshll.u32 s12, $0x6  }
0x2c: {  	s3 =	simm.s32 $0x0;
	s6 =	sadd.s32 s5, s13  }
0x2d: {  	[tilespmem:s22], [sflag:$0x2] =	stream.linear.gather [hbm4b:s6+s3], $0x200, $0x38;
	[tilespmem:$0x1B280] =	vst v63  }
0x2e: {  	_ =	swait.ge [sflag:s17], $0x200  }
0x2f: {  	[sflag:s17] =	ssyncset.done $0x0  }
0x30: {  	s16 =	simm.s32 $0xAA80;
	[sflag:s17] =	ssyncadd.s32 $0xFFFFFE00  }
0x31: {  	[tilespmem:s16], [sflag:$0x1] =	stream.indirect.gather [hbm4b:s1+s15], $0x80, s22, s15, $0xb8;
	[tilespmem:$0x1B280] =	vst v63  }
0x32: {  	s14 =	simm.s32 $0x9F00;
	s23 =	sshll.u32 s12, $0x4  }
0x33: {  	v2 =	vor.u32 s23, v0;
	[tilespmem:s25], [sflag:$0x1] =	stream.indirect.gather [hbm4b:s1+s15], $0x80, s14, s15, $0xb8;
	[tilespmem:$0x1B280] =	vst v63  }
0x34: {  	_ = 	snop  }
0x35: {  	[tilespmem:s28], [sflag:$0x1] =	stream.indirect.gather [hbm4b:s1+s15], $0x80, s26, s15, $0xb8;
	[tilespmem:$0x1B280] =	vst v63  }
0x36: {  	s23 =	simm.s32 $0x0  }
0x37: {  	[tilespmem:s30], [sflag:$0x1] =	stream.indirect.gather [hbm4b:s1+s15], $0x80, s29, s15, $0xb8;
	[tilespmem:$0x1B280] =	vst v63  }
0x38: {  	s6 =	simm.s32 $0xA080;
	s16 =	simm.s32 $0xA480;
	s14 =	simm.s32 $0xA280;
	v3 =	vld.idx.msk [tilespmem:v2+s18+$0x0], $0xffff;
	v2 =	vimm.f32 $-1.000000020e+30  }
.LBB2_3:
0x39: {  	v4 =	vor.u32 s23, v1;
	_ =	sdelay $0x4  }
0x3a: {  	v4 =	vld.idx.msk [tilespmem:v4+s22+$0x0], $0xffff;
	_ =	sdelay $0x7  }
0x3b: {  	v5 =	vld.idx.msk [tilespmem:v4+s3+$0x0], $0xffff;
	_ =	sdelay $0x4  }
0x3c: {  	v5 =	vadd.f32 v5, v3  }
0x3d: {  	v6 =	vld.idx.msk [tilespmem:v4+s19+$0x0], $0xffff  }
0x3e: {  	p0 =	sne.s32 s23, $0x1F;
	v4 =	vld.idx.msk [tilespmem:v4+s20+$0x0], $0xffff;
	v7 =	vmul.f32 $9.999999770e-03, v5  }
.Ltmp0:
0x3f: {  	vm0 =	vge.f32 v5, $0.0e+00;
	(pc) =	sbr.rel @p0 .LBB2_3-.Ltmp0, $4  }
0x40: {  	v5 =	vsel vm0, v5, v7  }
0x41: {  	[tilespmem:s6+$0x0] =	vst v5  }
0x42: {  	s23 =	sadd.s32 $0x1, s23;
	[tilespmem:s14+$0x0] =	vst v6  }
0x43: {  	s6 =	sadd.s32 $0x10, s6;
	v2 =	vmax.f32 v2, v5;
	s14 =	sadd.s32 $0x10, s14;
	[tilespmem:s16+$0x0] =	vst v4;
	s16 =	sadd.s32 $0x10, s16  }
0x44: {  	v3 =	vimm.f32 $0.0e+00;
	s3 =	simm.s32 $0x0;
	s6 =	simm.s32 $0x40  }
.LBB2_5:
0x45: {  	p0 =	sne.s32 s6, $0x7C0;
	v4 =	vld [tilespmem:s3+$0xA080];
	_ =	sdelay $0x4  }
0x46: {  	v4 =	vsub.f32 v4, v2;
	_ =	sdelay $0x1  }
0x47: {  	v4 =	vmul.f32 $1.442695020e+00, v4;
	_ =	sdelay $0x1  }
0x48: {  	(erf) = vpow2.f32 v4;
	_ =	sdelay $0x5  }
.Ltmp1:
0x49: {  	(pc) =	sbr.rel @p0 .LBB2_5-.Ltmp1, $3  }
0x4a: {  	_ =	sdelay $0x1  }
0x4b: {  	v4 =	vpop (erf)  }
0x4c: {  	[tilespmem:s3+$0xA080] =	vst v4;
	s3 =	sshra.s32 s6, $0x2;
	s6 =	sadd.s32 $0x40, s6;
	v3 =	vadd.f32 v4, v3  }
0x4d: {  	v4 =	vld [tilespmem:s3+$0xA080];
	_ =	sdelay $0x4  }
0x4e: {  	v2 =	vsub.f32 v4, v2;
	_ =	sdelay $0x1  }
0x4f: {  	v2 =	vmul.f32 $1.442695020e+00, v2;
	_ =	sdelay $0x1  }
0x50: {  	(erf) = vpow2.f32 v2;
	_ =	sdelay $0x8  }
0x51: {  	v2 =	vpop (erf)  }
0x52: {  	v3 =	vadd.f32 v2, v3;
	_ =	sdelay $0x1  }
0x53: {  	(erf) = vrcp.f32 v3;
	_ =	sdelay $0x3  }
0x54: {  	[tilespmem:s3+$0xA080] =	vst v2;
	s3 =	simm.s32 $0xA080  }
0x55: {  	v3 =	vld [tilespmem:s3+$0x0];
	_ =	sdelay $0x1  }
0x56: {  	s14 =	simm.s32 $0x0  }
0x57: {  	v4 =	vmov s14  }
0x58: {  	v2 =	vpop (erf)  }
0x59: {  	v5 =	vmul.f32 v3, v2;
	_ =	sdelay $0x1  }
0x5a: {  	[tilespmem:s3+$0x0] =	vst v5  }
0x5b: {  	v4 =	vld.idx.msk [tilespmem:v4+s21+$0x0], $0xffff;
	_ =	sdelay $0x1  }
0x5c: {  	v3 =	vor.u32 s14, v1;
	_ =	sdelay $0x2  }
0x5d: {  	s6 =	simm.s32 $0x1;
	v4 =	vmul.f32 v4, v5  }
.LBB2_7:
0x5e: {  	p0 =	sne.s32 s6, $0x1F  }
0x5f: {  	s3 =	sadd.s32 $0x10, s3;
	s16 =	smov.u32 s6;
	s6 =	sadd.s32 $0x1, s6;
	[tilespmem:v3+s31+$0x0] =	vst.idx.msk $0xffff, v4  }
0x60: {  	v3 =	vld [tilespmem:s3+$0x0];
	_ =	sdelay $0x2  }
0x61: {  	v4 =	vmov s16;
	_ =	sdelay $0x1  }
0x62: {  	v5 =	vmul.f32 v3, v2;
	_ =	sdelay $0x1  }
0x63: {  	[tilespmem:s3+$0x0] =	vst v5  }
0x64: {  	v4 =	vld.idx.msk [tilespmem:v4+s21+$0x0], $0xffff;
	_ =	sdelay $0x1  }
.Ltmp2:
0x65: {  	(pc) =	sbr.rel @p0 .LBB2_7-.Ltmp2, $2  }
0x66: {  	v3 =	vor.u32 s16, v1;
	_ =	sdelay $0x2  }
0x67: {  	v4 =	vmul.f32 v4, v5  }
0x68: {  	_ =	sdelay $0x3  }
0x69: {  	s3 =	simm.s32 $0xA280;
	[tilespmem:v3+s31+$0x0] =	vst.idx.msk $0xffff, v4  }
0x6a: {  	s6 =	simm.s32 $0xA090;
	v2 =	vld [tilespmem:s3+$0x0]  }
0x6b: {  	v3 =	vld [tilespmem:s6+$0xFFFFFFF0]  }
0x6c: {  	s16 =	simm.s32 $0xA490;
	v4 =	vld [tilespmem:s6+$0x0]  }
0x6d: {  	s23 =	simm.s32 $0x1;
	v5 =	vld [tilespmem:s16+$0x0]  }
.LBB2_9:
0x6e: {  	p0 =	sne.s32 s23, $0x1E;
	_ =	sdelay $0x2  }
0x6f: {  	v6 =	vor.u32 s14, v1;
	s14 =	smov.u32 s23  }
0x70: {  	v2 =	vmul.f32 v2, v3;
	v3 =	vmul.f32 v5, v4;
	_ =	sdelay $0x1  }
0x71: {  	v2 =	vadd.f32 v3, v2;
	_ =	sdelay $0x1  }
.Ltmp3:
0x72: {  	s3 =	sadd.s32 $0x10, s3;
	[tilespmem:v6+s0+$0x0] =	vst.idx.msk $0xffff, v2;
	(pc) =	sbr.rel @p0 .LBB2_9-.Ltmp3, $4  }
0x73: {  	s6 =	sadd.s32 $0x10, s6;
	v2 =	vld [tilespmem:s3+$0x0]  }
0x74: {  	v3 =	vld [tilespmem:s6+$0xFFFFFFF0]  }
0x75: {  	s16 =	sadd.s32 $0x10, s16;
	v4 =	vld [tilespmem:s6+$0x0]  }
0x76: {  	s23 =	sadd.s32 $0x1, s23;
	v5 =	vld [tilespmem:s16+$0x0]  }
0x77: {  	_ =	sdelay $0x2  }
0x78: {  	v6 =	vor.u32 s14, v1  }
0x79: {  	v2 =	vmul.f32 v2, v3;
	v3 =	vmul.f32 v5, v4;
	_ =	sdelay $0x1  }
0x7a: {  	v2 =	vadd.f32 v3, v2;
	_ =	sdelay $0x1  }
0x7b: {  	s3 =	sadd.s32 s7, s13;
	s13 =	simm.s32 $0x0;
	[tilespmem:v6+s0+$0x0] =	vst.idx.msk $0xffff, v2  }
0x7c: {  	[hbm4b:s3+s13] =	stream.linear.scatter [tilespmem:s0], [sflag:$0x2], $0x200, $0x38;
	[tilespmem:$0x1B280] =	vst v63  }
0x7d: {  	_ =	swait.ge [sflag:s17], $0x200  }
0x7e: {  	[sflag:s17] =	ssyncset.done $0x0  }
0x7f: {  	[sflag:s17] =	ssyncadd.s32 $0xFFFFFE00  }
0x80: {  	_ =	swait.ge [sflag:s4], $0x4000  }
0x81: {  	[sflag:s4] =	ssyncset.done $0x0  }
0x82: {  	[sflag:s4] =	ssyncadd.s32 $0xFFFFC000  }
0x83: {  	_ =	swait.ge [sflag:s4], $0x4000  }
0x84: {  	[sflag:s4] =	ssyncset.done $0x0  }
0x85: {  	[sflag:s4] =	ssyncadd.s32 $0xFFFFC000  }
0x86: {  	_ =	swait.ge [sflag:s4], $0x4000  }
0x87: {  	[sflag:s4] =	ssyncset.done $0x0  }
0x88: {  	[sflag:s4] =	ssyncadd.s32 $0xFFFFC000  }
0x89: {  	_ =	swait.ge [sflag:s4], $0x4000  }
0x8a: {  	[sflag:s4] =	ssyncset.done $0x0  }
0x8b: {  	s14 =	simm.s32 $0xAAC0;
	s16 =	simm.s32 $0x0;
	[sflag:s4] =	ssyncadd.s32 $0xFFFFC000  }
.LBB2_11:
0x8c: {  	s3 =	sadd.s32 $0x0, s13  }
0x8d: {  	v2 =	vmov s3;
	_ =	sdelay $0x1  }
0x8e: {  	v3 =	vld [tilespmem:s14+$0xFFFFFFC0]  }
0x8f: {  	v5 =	vld [tilespmem:s14+$0xFFFFFFD0]  }
0x90: {  	v6 =	vld [tilespmem:s14+$0xFFFFFFE0]  }
0x91: {  	v4 =	vld.idx.msk [tilespmem:v2+s31+$0x0], $0xffff  }
0x92: {  	v2 =	vld [tilespmem:s14+$0x30]  }
0x93: {  	s23 =	sadd.s32 $0x1, s13;
	v9 =	vld [tilespmem:s14+$0xFFFFFFF0]  }
0x94: {  	v11 =	vld [tilespmem:s14+$0x0];
	v8 =	vmov s23  }
0x95: {  	v13 =	vld [tilespmem:s14+$0x10];
	_ =	sdelay $0x1  }
0x96: {  	v2 =	vmul.f32 v2, v4  }
0x97: {  	v12 =	vld [tilespmem:s14+$0x20];
	v10 =	vmul.f32 v3, v4;
	v5 =	vmul.f32 v5, v4  }
0x98: {  	v7 =	vimm.f32 $0.0e+00;
	s6 =	sadd.s32 $0x80, s14;
	v3 =	vld.idx.msk [tilespmem:v8+s31+$0x0], $0xffff;
	v6 =	vmul.f32 v6, v4;
	v15 =	vmul.f32 v9, v4  }
0x99: {  	v16 =	vmul.f32 v11, v4;
	v17 =	vmul.f32 v13, v4;
	v9 =	vadd.f32 v10, v7;
	v10 =	vld [tilespmem:s6+$0x30]  }
0x9a: {  	v14 =	vld [tilespmem:s6+$0xFFFFFFC0];
	v13 =	vimm.f32 $0.0e+00;
	v2 =	vadd.f32 v2, v7;
	v5 =	vadd.f32 v5, v7  }
0x9b: {  	s23 =	sadd.s32 $0x2, s13;
	s3 =	simm.s32 $0x3;
	v11 =	vimm.f32 $0.0e+00;
	v8 =	vadd.f32 v6, v7;
	v6 =	vadd.f32 v15, v7;
	v15 =	vld [tilespmem:s6+$0xFFFFFFD0]  }
.LBB2_12:
0x9c: {  	p0 =	sne.s32 s3, $0x1F;
	v18 =	vmov s23;
	v19 =	vld [tilespmem:s6+$0xFFFFFFE0];
	v7 =	vadd.f32 v16, v7;
	v12 =	vmul.f32 v12, v4  }
0x9d: {  	v16 =	vld [tilespmem:s6+$0xFFFFFFF0];
	v13 =	vadd.f32 v17, v13  }
0x9e: {  	v4 =	vmov v3;
	v17 =	vld [tilespmem:s6+$0x0];
	v10 =	vmul.f32 v10, v3;
	v11 =	vadd.f32 v12, v11  }
0x9f: {  	v14 =	vmul.f32 v14, v4;
	v20 =	vld [tilespmem:s6+$0x10]  }
.Ltmp4:
0xa0: {  	v15 =	vmul.f32 v15, v4;
	v12 =	vld [tilespmem:s6+$0x20];
	v2 =	vadd.f32 v10, v2;
	(pc) =	sbr.rel @p0 .LBB2_12-.Ltmp4, $4  }
0xa1: {  	s6 =	sadd.s32 $0x80, s6;
	v3 =	vld.idx.msk [tilespmem:v18+s31+$0x0], $0xffff;
	v9 =	vadd.f32 v14, v9;
	v18 =	vmul.f32 v19, v4  }
0xa2: {  	v10 =	vld [tilespmem:s6+$0x30];
	v5 =	vadd.f32 v15, v5;
	v19 =	vmul.f32 v16, v4  }
0xa3: {  	v14 =	vld [tilespmem:s6+$0xFFFFFFC0];
	v8 =	vadd.f32 v18, v8;
	v16 =	vmul.f32 v17, v4  }
0xa4: {  	s23 =	sadd.s32 s3, s13;
	s3 =	sadd.s32 $0x1, s3;
	v15 =	vld [tilespmem:s6+$0xFFFFFFD0];
	v6 =	vadd.f32 v19, v6;
	v17 =	vmul.f32 v20, v4  }
0xa5: {  	v19 =	vld [tilespmem:s6+$0xFFFFFFE0]  }
0xa6: {  	v18 =	vmov s23;
	v20 =	vld [tilespmem:s6+$0xFFFFFFF0]  }
0xa7: {  	v21 =	vld [tilespmem:s6+$0x0]  }
0xa8: {  	v22 =	vld [tilespmem:s6+$0x10]  }
0xa9: {  	v23 =	vld [tilespmem:s6+$0x20];
	s3 =	sadd.s32 $0x80, s6  }
0xaa: {  	v24 =	vld [tilespmem:s3+$0xFFFFFFC0]  }
0xab: {  	v18 =	vld.idx.msk [tilespmem:v18+s31+$0x0], $0xffff  }
0xac: {  	v4 =	vmul.f32 v12, v4;
	v44 =	vld [tilespmem:s3+$0xFFFFFFD0]  }
0xad: {  	v7 =	vadd.f32 v16, v7;
	v45 =	vld [tilespmem:s3+$0xFFFFFFE0];
	v10 =	vmul.f32 v10, v3;
	v14 =	vmul.f32 v14, v3  }
0xae: {  	v13 =	vadd.f32 v17, v13;
	v48 =	vld [tilespmem:s3+$0xFFFFFFF0];
	v46 =	vmul.f32 v15, v3;
	v47 =	vmul.f32 v19, v3  }
0xaf: {  	v51 =	vld [tilespmem:s3+$0x0];
	v4 =	vadd.f32 v4, v11;
	v49 =	vmul.f32 v20, v3;
	v50 =	vmul.f32 v21, v3  }
0xb0: {  	v53 =	vld [tilespmem:s3+$0x10];
	v9 =	vadd.f32 v14, v9;
	v56 =	vmul.f32 v22, v3;
	v52 =	vmul.f32 v24, v18  }
0xb1: {  	v54 =	vld [tilespmem:s3+$0x20];
	v3 =	vmul.f32 v23, v3;
	v5 =	vadd.f32 v46, v5;
	v12 =	vmul.f32 v44, v18  }
0xb2: {  	s23 =	sshll.u32 s16, $0x7;
	v55 =	vld [tilespmem:s3+$0x30];
	v8 =	vadd.f32 v47, v8;
	v16 =	vmul.f32 v45, v18;
	v9 =	vadd.f32 v52, v9  }
0xb3: {  	s3 =	sand.u32 $0x3FFFFF80, s23;
	v6 =	vadd.f32 v49, v6;
	v17 =	vmul.f32 v48, v18;
	v5 =	vadd.f32 v12, v5  }
0xb4: {  	v7 =	vadd.f32 v50, v7;
	v57 =	vmul.f32 v51, v18;
	v8 =	vadd.f32 v16, v8;
	[tilespmem:s3+$0x1AA80] =	vst v9  }
0xb5: {  	s16 =	sadd.s32 $0x1, s16;
	v58 =	vadd.f32 v56, v13;
	v59 =	vmul.f32 v53, v18;
	v6 =	vadd.f32 v17, v6;
	[tilespmem:s3+$0x1AA90] =	vst v5  }
0xb6: {  	p0 =	sne.s32 s16, $0x10;
	v3 =	vadd.f32 v3, v4;
	v61 =	vmul.f32 v54, v18;
	v60 =	vadd.f32 v57, v7;
	[tilespmem:s3+$0x1AAA0] =	vst v8  }
.Ltmp5:
0xb7: {  	v2 =	vadd.f32 v10, v2;
	v62 =	vmul.f32 v55, v18;
	v63 =	vadd.f32 v59, v58;
	[tilespmem:s3+$0x1AAB0] =	vst v6;
	(pc) =	sbr.rel @p0 .LBB2_11-.Ltmp5, $4  }
0xb8: {  	v3 =	vadd.f32 v61, v3;
	[tilespmem:s3+$0x1AAC0] =	vst v60  }
0xb9: {  	v2 =	vadd.f32 v62, v2;
	[tilespmem:s3+$0x1AAD0] =	vst v63  }
0xba: {  	[tilespmem:s3+$0x1AAE0] =	vst v3  }
0xbb: {  	s13 =	sadd.s32 $0x20, s13;
	s14 =	sadd.s32 $0x1000, s14;
	[tilespmem:s3+$0x1AAF0] =	vst v2  }
0xbc: {  	s10 =	sadd.s32 $0x1, s10  }
0xbd: {  	s3 =	sshll.u32 s12, $0x8;
	p0 =	sne.s32 s10, s11  }
.Ltmp6:
0xbe: {  	s3 =	sadd.s32 s8, s3;
	(pc) =	sbr.rel @p0 .LBB2_2-.Ltmp6, $4  }
0xbf: {  	[hbm4b:s3+s24] =	stream.linear.scatter [tilespmem:s2], [sflag:$0x2], $0x800, $0x38;
	[tilespmem:$0x1B280] =	vst v63  }
0xc0: {  	_ =	swait.ge [sflag:s17], $0x800  }
0xc1: {  	[sflag:s17] =	ssyncset.done $0x0  }
0xc2: {  	[sflag:s17] =	ssyncadd.s32 $0xFFFFF800  }
0xc3: {  	s6 =	rddreg [dreg:$0x9]  }
0xc4: {  	s3 =	rddreg [dreg:$0x8];
	s6 =	sadd.s32 $0x1, s6  }
0xc5: {  	p0 =	sne.s32 s6, s3  }
.Ltmp7:
0xc6: {  	_ = 	snop;
	(pc) =	sbr.rel @p0 .LBB2_1-.Ltmp7, $1  }
0xc7: {  	_ =	sdelay $0x3  }
0xc8: {  	_ =	sfence.sel $0x180000  }
0xc9: {  	[bflag:$0x0] =	sbarrier.arrive $0xFFFF  }
0xca: {  	_ =	strace $0x90000047  }
0xcb: {  	s0 =	stileid.u32;
	[bflag:$0x2] =	sbarrier.arrive $0xFFFF  }
0xcc: {  	p0 =	sne.s32 s0, $0x0;
	s0 =	rddreg [dreg:$0x3]  }
0xcd: {  	s0 =	sadd.s32 @!p0 $0x100000, s0  }
0xce: {  	[sflag:s0] =	ssyncadd.tile.s32 @!p0 $0x1;
	_ =	shalt  }
.Lfunc_end2:
_tile_overlayer_lowered:
.L_overlay_start_2:
0xcf: {  	(tag) =	ssettag $0x2  }
0xd0: {  	s0 =	rddreg [dreg:$0x0];
	s2 =	stileid.u32  }
0xd1: {  	s1 =	rddreg [dreg:$0x1];
	p0 =	sne.s32 s2, $0x0  }
0xd2: {  	s3 =	rddreg [dreg:$0x2];
	[bflag:$0x3] =	sbarrier.arrive $0xFFFF;
	s2 =	simm.s32 @!p0 $0x1C02  }
0xd3: {  	[timem:s3], [sflag:s2] =	dma.local @!p0 [hbm:s0], s1  }
0xd4: {  	s0 =	simm.s32 @!p0 $0x2  }
0xd5: {  	_ =	swait.ge @!p0 [sflag:s0], s1  }
0xd6: {  	s1 =	ssub.s32 @!p0 $0x0, s1;
	[sflag:s0] =	ssyncset.done @!p0 $0x0  }
0xd7: {  	[sflag:s0] =	ssyncadd.s32 @!p0 s1  }
0xd8: {  	[bflag:$0x3] =	sbarrier.arrive $0xFFFF  }
0xd9: {  	_ =	shalt  }

</sc_bundles>
